<compile_context>
chip_gen: v7x
topology: tpu7x:2x2x1
jax: 0.10.2.dev20260603
libtpu: 0.0.44.dev20260713+nightly
codegen_flags: <defaults>
</compile_context>

<pallas_src>
import functools

import jax
import jax.numpy as jnp
from jax import lax
from jax.experimental import pallas as pl
from jax.experimental.pallas import tpu as pltpu
from jax.experimental.pallas import tpu_sc as plsc

N = 257
HEAD = 16
TABLE = 964
TABLE_WORDS = TABLE * HEAD
NC, NS = 2, 16
RPAD = 264
CPAD = 272


def _bias_gather(idx_hbm, pbt_hbm, out_hbm, idx_v, pbt_v, out_v, sem_i, sem_i2, sem_t):
    wid = lax.axis_index("s") * NC + lax.axis_index("c")
    r0 = wid * 8
    cp_i = pltpu.async_copy(
        idx_hbm.at[pl.ds(r0, 8), :], idx_v.at[pl.ds(0, 8), :], sem_i
    )
    cp_i2 = pltpu.async_copy(
        idx_hbm.at[pl.ds(RPAD - 8, 8), :], idx_v.at[pl.ds(8, 8), :], sem_i2
    )
    cp_t = pltpu.async_copy(pbt_hbm, pbt_v, sem_t)
    cp_i.wait()
    cp_i2.wait()
    cp_t.wait()

    @plsc.parallel_loop(0, 9 * CPAD, step=16, unroll=4)
    def _(off):
        r = off // CPAD
        c = lax.rem(off, CPAD)
        ids = idx_v[r, pl.ds(c, 16)]
        for h in range(HEAD):
            out_v[h, r, pl.ds(c, 16)] = plsc.load_gather(pbt_v, [ids + h * TABLE])

    pltpu.sync_copy(out_v.at[:, pl.ds(0, 8), :], out_hbm.at[:, pl.ds(r0, 8), :])

    @pl.when(wid == 0)
    def _():
        pltpu.sync_copy(
            out_v.at[:, pl.ds(8, 8), :], out_hbm.at[:, pl.ds(RPAD - 8, 8), :]
        )


@functools.partial(
    pl.kernel,
    out_type=jax.ShapeDtypeStruct((HEAD, RPAD, CPAD), jnp.float32),
    mesh=plsc.VectorSubcoreMesh(
        core_axis_name="c", subcore_axis_name="s", num_cores=NC, num_subcores=NS
    ),
    scratch_types=[
        pltpu.VMEM((16, CPAD), jnp.int32),
        pltpu.VMEM((TABLE_WORDS,), jnp.float32),
        pltpu.VMEM((HEAD, 16, CPAD), jnp.float32),
        pltpu.SemaphoreType.DMA,
        pltpu.SemaphoreType.DMA,
        pltpu.SemaphoreType.DMA,
    ],
    compiler_params=pltpu.CompilerParams(needs_layout_passes=False),
)
def _bias_gather_call(idx_hbm, pbt_hbm, out_hbm, idx_v, pbt_v, out_v, sem_i, sem_i2, sem_t):
    _bias_gather(idx_hbm, pbt_hbm, out_hbm, idx_v, pbt_v, out_v, sem_i, sem_i2, sem_t)


def kernel(pb, idx):
    pbt = jnp.ravel(jnp.transpose(pb))
    idxp = jnp.pad(idx, ((0, RPAD - N), (0, CPAD - N)))
    out = _bias_gather_call(idxp, pbt)
    return out[:, :N, :N]

# --- scband reference (transcript-rebuilt; emitter-appended) ---
"""Pipeline reference for scband-position-bias-19653770346935 (READ-ONLY COPY).

The authoritative reference and input builder live on the scoring server;
editing this copy changes nothing except your own understanding.
"""

import jax, jax.numpy as jnp
import numpy as np

WINDOW = (16, 16)
HEAD = 16


def _build_idx(window):
    w0, w1 = window
    dist = (2 * w0 - 1) * (2 * w1 - 1) + 3
    m1 = np.meshgrid(np.arange(w1), np.arange(w0))
    c1 = np.reshape(np.stack([m1[1], m1[0]]), [-1, w0 * w1])
    c2 = np.transpose(c1[:, :, None] - c1[:, None, :], [1, 2, 0]).astype(np.int64)
    c2[:, :, 0] = c2[:, :, 0] + (w0 - 1)
    c2[:, :, 1] = c2[:, :, 1] + (w1 - 1)
    c2[:, :, 0] = c2[:, :, 0] * (2 * w1 - 1)
    idx = np.zeros((w0 * w1 + 1, w0 * w1 + 1), dtype=np.int64)
    idx[1:, 1:] = np.sum(c2, -1)
    idx[0, 0:] = dist - 3
    idx[0:, 0] = dist - 2
    idx[0, 0] = dist - 1
    return idx, dist


def setup_inputs(seed: int = 0):
    key = jax.random.key(seed)
    idx, dist = _build_idx(WINDOW)
    pb = jax.random.normal(key, (dist, HEAD), dtype=jnp.float32) * 0.02
    return {"pb": pb, "idx": jnp.asarray(idx, dtype=jnp.int32)}


def reference(pb, idx):
    w0, w1 = WINDOW
    n = w0 * w1 + 1
    p1 = jnp.take(pb, jnp.reshape(idx, [-1]), axis=0)
    return jnp.transpose(jnp.reshape(p1, [n, n, -1]), [2, 0, 1])

if __name__ == "__main__":
    import jax
    _d = setup_inputs()
    print(jax.jit(kernel)(*tuple(_d.values())))

</pallas_src>

<mosaic_0001>
#map = affine_map<(d0, d1) -> (0, 0)>
#map1 = affine_map<(d0, d1) -> (0)>
#map2 = affine_map<(d0, d1) -> (0, 0, 0)>
module attributes {stable_mosaic.version = 14 : i64} {
  func.func @_bias_gather_call(%arg0: i32, %arg1: i32, %arg2: memref<264x272xi32, #tpu.memory_space<hbm>>, %arg3: memref<15424xf32, #tpu.memory_space<hbm>>, %arg4: memref<16x264x272xf32, #tpu.memory_space<hbm>>, %arg5: memref<16x272xi32, #tpu.memory_space<vmem>>, %arg6: memref<15424xf32, #tpu.memory_space<vmem>>, %arg7: memref<16x16x272xf32, #tpu.memory_space<vmem>>, %arg8: memref<!tpu.dma_semaphore, #tpu.memory_space<semaphore_mem>>, %arg9: memref<!tpu.dma_semaphore, #tpu.memory_space<semaphore_mem>>, %arg10: memref<!tpu.dma_semaphore, #tpu.memory_space<semaphore_mem>>) attributes {dimension_semantics = [#tpu.dimension_semantics<core_parallel>, #tpu.dimension_semantics<subcore_parallel>], iteration_bounds = array<i64: 2, 16>, scalar_prefetch = 0 : i64, scratch_operands = 6 : i64, tpu.core_type = #tpu.core_type<sc_vector_subcore>, window_params = [{transform_indices = #map}, {transform_indices = #map1}, {transform_indices = #map2}]} {
    %mul3A = arith.constant 2 : i32
    %mul3A_0 = arith.muli %arg1, %mul3A : i32
    %add3A = arith.addi %mul3A_0, %arg0 : i32
    %mul3A_1 = arith.constant 8 : i32
    %mul3A_2 = arith.muli %add3A, %mul3A_1 : i32
    %dma_start3A = arith.constant 0 : i32
    %dma_start3A_3 = arith.constant 0 : i32
    %dma_start3A_4 = tpu.memref_slice %arg5[%dma_start3A, %dma_start3A_3] : memref<16x272xi32, #tpu.memory_space<vmem>> -> memref<8x272xi32, #tpu.memory_space<vmem>>
    %dma_start3A_5 = arith.constant 0 : i32
    %dma_start3A_6 = tpu.memref_slice %arg2[%mul3A_2, %dma_start3A_5] : memref<264x272xi32, #tpu.memory_space<hbm>> -> memref<8x272xi32, #tpu.memory_space<hbm>>
    %dma_start3A_7 = arith.constant 0 : i32
    %dma_start3A_8 = arith.constant 0 : i32
    %dma_start3A_9 = tpu.memref_slice %arg5[%dma_start3A_7, %dma_start3A_8] : memref<16x272xi32, #tpu.memory_space<vmem>> -> memref<8x272xi32, #tpu.memory_space<vmem>>
    %dma_start3A_10 = arith.constant 0 : i32
    %dma_start3A_11 = tpu.memref_slice %arg2[%mul3A_2, %dma_start3A_10] : memref<264x272xi32, #tpu.memory_space<hbm>> -> memref<8x272xi32, #tpu.memory_space<hbm>>
    tpu.enqueue_dma source(%dma_start3A_11 : memref<8x272xi32, #tpu.memory_space<hbm>>) target(%dma_start3A_9 : memref<8x272xi32, #tpu.memory_space<vmem>>) target_semaphore(%arg8 : memref<!tpu.dma_semaphore, #tpu.memory_space<semaphore_mem>>)
    %dma_start3A_12 = arith.constant 8 : i32
    %dma_start3A_13 = arith.constant 0 : i32
    %dma_start3A_14 = tpu.memref_slice %arg5[%dma_start3A_12, %dma_start3A_13] : memref<16x272xi32, #tpu.memory_space<vmem>> -> memref<8x272xi32, #tpu.memory_space<vmem>>
    %dma_start3A_15 = arith.constant 256 : i32
    %dma_start3A_16 = arith.constant 0 : i32
    %dma_start3A_17 = tpu.memref_slice %arg2[%dma_start3A_15, %dma_start3A_16] : memref<264x272xi32, #tpu.memory_space<hbm>> -> memref<8x272xi32, #tpu.memory_space<hbm>>
    %dma_start3A_18 = arith.constant 8 : i32
    %dma_start3A_19 = arith.constant 0 : i32
    %dma_start3A_20 = tpu.memref_slice %arg5[%dma_start3A_18, %dma_start3A_19] : memref<16x272xi32, #tpu.memory_space<vmem>> -> memref<8x272xi32, #tpu.memory_space<vmem>>
    %dma_start3A_21 = arith.constant 256 : i32
    %dma_start3A_22 = arith.constant 0 : i32
    %dma_start3A_23 = tpu.memref_slice %arg2[%dma_start3A_21, %dma_start3A_22] : memref<264x272xi32, #tpu.memory_space<hbm>> -> memref<8x272xi32, #tpu.memory_space<hbm>>
    tpu.enqueue_dma source(%dma_start3A_23 : memref<8x272xi32, #tpu.memory_space<hbm>>) target(%dma_start3A_20 : memref<8x272xi32, #tpu.memory_space<vmem>>) target_semaphore(%arg9 : memref<!tpu.dma_semaphore, #tpu.memory_space<semaphore_mem>>)
    tpu.enqueue_dma source(%arg3 : memref<15424xf32, #tpu.memory_space<hbm>>) target(%arg6 : memref<15424xf32, #tpu.memory_space<vmem>>) target_semaphore(%arg10 : memref<!tpu.dma_semaphore, #tpu.memory_space<semaphore_mem>>)
    %dma_wait3A = arith.constant 0 : i32
    %dma_wait3A_24 = arith.constant 0 : i32
    %dma_wait3A_25 = tpu.memref_slice %arg5[%dma_wait3A, %dma_wait3A_24] : memref<16x272xi32, #tpu.memory_space<vmem>> -> memref<8x272xi32, #tpu.memory_space<vmem>>
    %dma_wait3A_26 = arith.constant 0 : i32
    %dma_wait3A_27 = tpu.memref_slice %arg2[%mul3A_2, %dma_wait3A_26] : memref<264x272xi32, #tpu.memory_space<hbm>> -> memref<8x272xi32, #tpu.memory_space<hbm>>
    %dma_wait3A_28 = arith.constant 0 : i32
    %dma_wait3A_29 = arith.constant 0 : i32
    %dma_wait3A_30 = tpu.memref_slice %arg5[%dma_wait3A_28, %dma_wait3A_29] : memref<16x272xi32, #tpu.memory_space<vmem>> -> memref<8x272xi32, #tpu.memory_space<vmem>>
    %dma_wait3A_31 = arith.constant 0 : i32
    %dma_wait3A_32 = tpu.memref_slice %arg2[%mul3A_2, %dma_wait3A_31] : memref<264x272xi32, #tpu.memory_space<hbm>> -> memref<8x272xi32, #tpu.memory_space<hbm>>
    tpu.wait_dma2 semaphore(%arg8 : memref<!tpu.dma_semaphore, #tpu.memory_space<semaphore_mem>>) src(%dma_wait3A_32 : memref<8x272xi32, #tpu.memory_space<hbm>>) dst(%dma_wait3A_30 : memref<8x272xi32, #tpu.memory_space<vmem>>)
    %dma_wait3A_33 = arith.constant 8 : i32
    %dma_wait3A_34 = arith.constant 0 : i32
    %dma_wait3A_35 = tpu.memref_slice %arg5[%dma_wait3A_33, %dma_wait3A_34] : memref<16x272xi32, #tpu.memory_space<vmem>> -> memref<8x272xi32, #tpu.memory_space<vmem>>
    %dma_wait3A_36 = arith.constant 256 : i32
    %dma_wait3A_37 = arith.constant 0 : i32
    %dma_wait3A_38 = tpu.memref_slice %arg2[%dma_wait3A_36, %dma_wait3A_37] : memref<264x272xi32, #tpu.memory_space<hbm>> -> memref<8x272xi32, #tpu.memory_space<hbm>>
    %dma_wait3A_39 = arith.constant 8 : i32
    %dma_wait3A_40 = arith.constant 0 : i32
    %dma_wait3A_41 = tpu.memref_slice %arg5[%dma_wait3A_39, %dma_wait3A_40] : memref<16x272xi32, #tpu.memory_space<vmem>> -> memref<8x272xi32, #tpu.memory_space<vmem>>
    %dma_wait3A_42 = arith.constant 256 : i32
    %dma_wait3A_43 = arith.constant 0 : i32
    %dma_wait3A_44 = tpu.memref_slice %arg2[%dma_wait3A_42, %dma_wait3A_43] : memref<264x272xi32, #tpu.memory_space<hbm>> -> memref<8x272xi32, #tpu.memory_space<hbm>>
    tpu.wait_dma2 semaphore(%arg9 : memref<!tpu.dma_semaphore, #tpu.memory_space<semaphore_mem>>) src(%dma_wait3A_44 : memref<8x272xi32, #tpu.memory_space<hbm>>) dst(%dma_wait3A_41 : memref<8x272xi32, #tpu.memory_space<vmem>>)
    tpu.wait_dma2 semaphore(%arg10 : memref<!tpu.dma_semaphore, #tpu.memory_space<semaphore_mem>>) src(%arg3 : memref<15424xf32, #tpu.memory_space<hbm>>) dst(%arg6 : memref<15424xf32, #tpu.memory_space<vmem>>)
    %parallel_loop3A = arith.constant 0 : i32
    %parallel_loop3A_45 = arith.constant 2448 : i32
    %parallel_loop3A_46 = arith.constant 16 : i32
    scf.for %parallel_loop3A_49 = %parallel_loop3A to %parallel_loop3A_45 step %parallel_loop3A_46  : i32 {
      %parallel_loop3A_50 = arith.constant 272 : i32
      %parallel_loop3A_51 = arith.divsi %parallel_loop3A_49, %parallel_loop3A_50 : i32
      %parallel_loop3A_52 = arith.constant 0 : i32
      %parallel_loop3A_53 = arith.cmpi sgt, %parallel_loop3A_49, %parallel_loop3A_52 : i32
      %parallel_loop3A_54 = arith.extui %parallel_loop3A_53 : i1 to i32
      %parallel_loop3A_55 = arith.constant 0 : i32
      %parallel_loop3A_56 = arith.cmpi slt, %parallel_loop3A_49, %parallel_loop3A_55 : i32
      %parallel_loop3A_57 = arith.extui %parallel_loop3A_56 : i1 to i32
      %parallel_loop3A_58 = arith.subi %parallel_loop3A_54, %parallel_loop3A_57 : i32
      %parallel_loop3A_59 = arith.constant 0 : i32
      %parallel_loop3A_60 = arith.cmpi sgt, %parallel_loop3A_50, %parallel_loop3A_59 : i32
      %parallel_loop3A_61 = arith.extui %parallel_loop3A_60 : i1 to i32
      %parallel_loop3A_62 = arith.constant 0 : i32
      %parallel_loop3A_63 = arith.cmpi slt, %parallel_loop3A_50, %parallel_loop3A_62 : i32
      %parallel_loop3A_64 = arith.extui %parallel_loop3A_63 : i1 to i32
      %parallel_loop3A_65 = arith.subi %parallel_loop3A_61, %parallel_loop3A_64 : i32
      %parallel_loop3A_66 = arith.cmpi ne, %parallel_loop3A_58, %parallel_loop3A_65 : i32
      %parallel_loop3A_67 = arith.remsi %parallel_loop3A_49, %parallel_loop3A_50 : i32
      %parallel_loop3A_68 = arith.constant 0 : i32
      %parallel_loop3A_69 = arith.cmpi ne, %parallel_loop3A_67, %parallel_loop3A_68 : i32
      %parallel_loop3A_70 = arith.andi %parallel_loop3A_66, %parallel_loop3A_69 : i1
      %parallel_loop3A_71 = arith.constant 1 : i32
      %parallel_loop3A_72 = arith.subi %parallel_loop3A_51, %parallel_loop3A_71 : i32
      %parallel_loop3A_73 = arith.select %parallel_loop3A_70, %parallel_loop3A_72, %parallel_loop3A_51 : i32
      %parallel_loop3A_74 = arith.constant 272 : i32
      %parallel_loop3A_75 = arith.remsi %parallel_loop3A_49, %parallel_loop3A_74 : i32
      %parallel_loop3A_76 = arith.index_cast %parallel_loop3A_73 : i32 to index
      %parallel_loop3A_77 = arith.index_cast %parallel_loop3A_75 : i32 to index
      %parallel_loop3A_78 = tpu.vector_load %arg5[%parallel_loop3A_76, %parallel_loop3A_77] {strides = array<i32>} : memref<16x272xi32, #tpu.memory_space<vmem>>, vector<16xi32>,
      %parallel_loop3A_79 = arith.constant 0 : i32
      %parallel_loop3A_80 = vector.broadcast %parallel_loop3A_79 : i32 to vector<16xi32>
      %parallel_loop3A_81 = arith.addi %parallel_loop3A_78, %parallel_loop3A_80 : vector<16xi32>
      %parallel_loop3A_82 = tpu.vector_load_idx %arg6[%parallel_loop3A_81] : memref<15424xf32, #tpu.memory_space<vmem>>[vector<16xi32>], vector<16xf32>,
      %parallel_loop3A_83 = arith.constant 0 : i32
      %parallel_loop3A_84 = arith.index_cast %parallel_loop3A_83 : i32 to index
      %parallel_loop3A_85 = arith.index_cast %parallel_loop3A_73 : i32 to index
      %parallel_loop3A_86 = arith.index_cast %parallel_loop3A_75 : i32 to index
      %parallel_loop3A_87 = tpu.vector_load %arg7[%parallel_loop3A_84, %parallel_loop3A_85, %parallel_loop3A_86] {strides = array<i32>} : memref<16x16x272xf32, #tpu.memory_space<vmem>>, vector<16xf32>,
      tpu.vector_store %arg7[%parallel_loop3A_84, %parallel_loop3A_85, %parallel_loop3A_86], %parallel_loop3A_82 {strides = array<i32>} : memref<16x16x272xf32, #tpu.memory_space<vmem>>, vector<16xf32>,
      %parallel_loop3A_88 = arith.constant 964 : i32
      %parallel_loop3A_89 = vector.broadcast %parallel_loop3A_88 : i32 to vector<16xi32>
      %parallel_loop3A_90 = arith.addi %parallel_loop3A_78, %parallel_loop3A_89 : vector<16xi32>
      %parallel_loop3A_91 = tpu.vector_load_idx %arg6[%parallel_loop3A_90] : memref<15424xf32, #tpu.memory_space<vmem>>[vector<16xi32>], vector<16xf32>,
      %parallel_loop3A_92 = arith.constant 1 : i32
      %parallel_loop3A_93 = arith.index_cast %parallel_loop3A_92 : i32 to index
      %parallel_loop3A_94 = arith.index_cast %parallel_loop3A_73 : i32 to index
      %parallel_loop3A_95 = arith.index_cast %parallel_loop3A_75 : i32 to index
      %parallel_loop3A_96 = tpu.vector_load %arg7[%parallel_loop3A_93, %parallel_loop3A_94, %parallel_loop3A_95] {strides = array<i32>} : memref<16x16x272xf32, #tpu.memory_space<vmem>>, vector<16xf32>,
      tpu.vector_store %arg7[%parallel_loop3A_93, %parallel_loop3A_94, %parallel_loop3A_95], %parallel_loop3A_91 {strides = array<i32>} : memref<16x16x272xf32, #tpu.memory_space<vmem>>, vector<16xf32>,
      %parallel_loop3A_97 = arith.constant 1928 : i32
      %parallel_loop3A_98 = vector.broadcast %parallel_loop3A_97 : i32 to vector<16xi32>
      %parallel_loop3A_99 = arith.addi %parallel_loop3A_78, %parallel_loop3A_98 : vector<16xi32>
      %parallel_loop3A_100 = tpu.vector_load_idx %arg6[%parallel_loop3A_99] : memref<15424xf32, #tpu.memory_space<vmem>>[vector<16xi32>], vector<16xf32>,
      %parallel_loop3A_101 = arith.constant 2 : i32
      %parallel_loop3A_102 = arith.index_cast %parallel_loop3A_101 : i32 to index
      %parallel_loop3A_103 = arith.index_cast %parallel_loop3A_73 : i32 to index
      %parallel_loop3A_104 = arith.index_cast %parallel_loop3A_75 : i32 to index
      %parallel_loop3A_105 = tpu.vector_load %arg7[%parallel_loop3A_102, %parallel_loop3A_103, %parallel_loop3A_104] {strides = array<i32>} : memref<16x16x272xf32, #tpu.memory_space<vmem>>, vector<16xf32>,
      tpu.vector_store %arg7[%parallel_loop3A_102, %parallel_loop3A_103, %parallel_loop3A_104], %parallel_loop3A_100 {strides = array<i32>} : memref<16x16x272xf32, #tpu.memory_space<vmem>>, vector<16xf32>,
      %parallel_loop3A_106 = arith.constant 2892 : i32
      %parallel_loop3A_107 = vector.broadcast %parallel_loop3A_106 : i32 to vector<16xi32>
      %parallel_loop3A_108 = arith.addi %parallel_loop3A_78, %parallel_loop3A_107 : vector<16xi32>
      %parallel_loop3A_109 = tpu.vector_load_idx %arg6[%parallel_loop3A_108] : memref<15424xf32, #tpu.memory_space<vmem>>[vector<16xi32>], vector<16xf32>,
      %parallel_loop3A_110 = arith.constant 3 : i32
      %parallel_loop3A_111 = arith.index_cast %parallel_loop3A_110 : i32 to index
      %parallel_loop3A_112 = arith.index_cast %parallel_loop3A_73 : i32 to index
      %parallel_loop3A_113 = arith.index_cast %parallel_loop3A_75 : i32 to index
      %parallel_loop3A_114 = tpu.vector_load %arg7[%parallel_loop3A_111, %parallel_loop3A_112, %parallel_loop3A_113] {strides = array<i32>} : memref<16x16x272xf32, #tpu.memory_space<vmem>>, vector<16xf32>,
      tpu.vector_store %arg7[%parallel_loop3A_111, %parallel_loop3A_112, %parallel_loop3A_113], %parallel_loop3A_109 {strides = array<i32>} : memref<16x16x272xf32, #tpu.memory_space<vmem>>, vector<16xf32>,
      %parallel_loop3A_115 = arith.constant 3856 : i32
      %parallel_loop3A_116 = vector.broadcast %parallel_loop3A_115 : i32 to vector<16xi32>
      %parallel_loop3A_117 = arith.addi %parallel_loop3A_78, %parallel_loop3A_116 : vector<16xi32>
      %parallel_loop3A_118 = tpu.vector_load_idx %arg6[%parallel_loop3A_117] : memref<15424xf32, #tpu.memory_space<vmem>>[vector<16xi32>], vector<16xf32>,
      %parallel_loop3A_119 = arith.constant 4 : i32
      %parallel_loop3A_120 = arith.index_cast %parallel_loop3A_119 : i32 to index
      %parallel_loop3A_121 = arith.index_cast %parallel_loop3A_73 : i32 to index
      %parallel_loop3A_122 = arith.index_cast %parallel_loop3A_75 : i32 to index
      %parallel_loop3A_123 = tpu.vector_load %arg7[%parallel_loop3A_120, %parallel_loop3A_121, %parallel_loop3A_122] {strides = array<i32>} : memref<16x16x272xf32, #tpu.memory_space<vmem>>, vector<16xf32>,
      tpu.vector_store %arg7[%parallel_loop3A_120, %parallel_loop3A_121, %parallel_loop3A_122], %parallel_loop3A_118 {strides = array<i32>} : memref<16x16x272xf32, #tpu.memory_space<vmem>>, vector<16xf32>,
      %parallel_loop3A_124 = arith.constant 4820 : i32
      %parallel_loop3A_125 = vector.broadcast %parallel_loop3A_124 : i32 to vector<16xi32>
      %parallel_loop3A_126 = arith.addi %parallel_loop3A_78, %parallel_loop3A_125 : vector<16xi32>
      %parallel_loop3A_127 = tpu.vector_load_idx %arg6[%parallel_loop3A_126] : memref<15424xf32, #tpu.memory_space<vmem>>[vector<16xi32>], vector<16xf32>,
      %parallel_loop3A_128 = arith.constant 5 : i32
      %parallel_loop3A_129 = arith.index_cast %parallel_loop3A_128 : i32 to index
      %parallel_loop3A_130 = arith.index_cast %parallel_loop3A_73 : i32 to index
      %parallel_loop3A_131 = arith.index_cast %parallel_loop3A_75 : i32 to index
      %parallel_loop3A_132 = tpu.vector_load %arg7[%parallel_loop3A_129, %parallel_loop3A_130, %parallel_loop3A_131] {strides = array<i32>} : memref<16x16x272xf32, #tpu.memory_space<vmem>>, vector<16xf32>,
      tpu.vector_store %arg7[%parallel_loop3A_129, %parallel_loop3A_130, %parallel_loop3A_131], %parallel_loop3A_127 {strides = array<i32>} : memref<16x16x272xf32, #tpu.memory_space<vmem>>, vector<16xf32>,
      %parallel_loop3A_133 = arith.constant 5784 : i32
      %parallel_loop3A_134 = vector.broadcast %parallel_loop3A_133 : i32 to vector<16xi32>
      %parallel_loop3A_135 = arith.addi %parallel_loop3A_78, %parallel_loop3A_134 : vector<16xi32>
      %parallel_loop3A_136 = tpu.vector_load_idx %arg6[%parallel_loop3A_135] : memref<15424xf32, #tpu.memory_space<vmem>>[vector<16xi32>], vector<16xf32>,
      %parallel_loop3A_137 = arith.constant 6 : i32
      %parallel_loop3A_138 = arith.index_cast %parallel_loop3A_137 : i32 to index
      %parallel_loop3A_139 = arith.index_cast %parallel_loop3A_73 : i32 to index
      %parallel_loop3A_140 = arith.index_cast %parallel_loop3A_75 : i32 to index
      %parallel_loop3A_141 = tpu.vector_load %arg7[%parallel_loop3A_138, %parallel_loop3A_139, %parallel_loop3A_140] {strides = array<i32>} : memref<16x16x272xf32, #tpu.memory_space<vmem>>, vector<16xf32>,
      tpu.vector_store %arg7[%parallel_loop3A_138, %parallel_loop3A_139, %parallel_loop3A_140], %parallel_loop3A_136 {strides = array<i32>} : memref<16x16x272xf32, #tpu.memory_space<vmem>>, vector<16xf32>,
      %parallel_loop3A_142 = arith.constant 6748 : i32
      %parallel_loop3A_143 = vector.broadcast %parallel_loop3A_142 : i32 to vector<16xi32>
      %parallel_loop3A_144 = arith.addi %parallel_loop3A_78, %parallel_loop3A_143 : vector<16xi32>
      %parallel_loop3A_145 = tpu.vector_load_idx %arg6[%parallel_loop3A_144] : memref<15424xf32, #tpu.memory_space<vmem>>[vector<16xi32>], vector<16xf32>,
      %parallel_loop3A_146 = arith.constant 7 : i32
      %parallel_loop3A_147 = arith.index_cast %parallel_loop3A_146 : i32 to index
      %parallel_loop3A_148 = arith.index_cast %parallel_loop3A_73 : i32 to index
      %parallel_loop3A_149 = arith.index_cast %parallel_loop3A_75 : i32 to index
      %parallel_loop3A_150 = tpu.vector_load %arg7[%parallel_loop3A_147, %parallel_loop3A_148, %parallel_loop3A_149] {strides = array<i32>} : memref<16x16x272xf32, #tpu.memory_space<vmem>>, vector<16xf32>,
      tpu.vector_store %arg7[%parallel_loop3A_147, %parallel_loop3A_148, %parallel_loop3A_149], %parallel_loop3A_145 {strides = array<i32>} : memref<16x16x272xf32, #tpu.memory_space<vmem>>, vector<16xf32>,
      %parallel_loop3A_151 = arith.constant 7712 : i32
      %parallel_loop3A_152 = vector.broadcast %parallel_loop3A_151 : i32 to vector<16xi32>
      %parallel_loop3A_153 = arith.addi %parallel_loop3A_78, %parallel_loop3A_152 : vector<16xi32>
      %parallel_loop3A_154 = tpu.vector_load_idx %arg6[%parallel_loop3A_153] : memref<15424xf32, #tpu.memory_space<vmem>>[vector<16xi32>], vector<16xf32>,
      %parallel_loop3A_155 = arith.constant 8 : i32
      %parallel_loop3A_156 = arith.index_cast %parallel_loop3A_155 : i32 to index
      %parallel_loop3A_157 = arith.index_cast %parallel_loop3A_73 : i32 to index
      %parallel_loop3A_158 = arith.index_cast %parallel_loop3A_75 : i32 to index
      %parallel_loop3A_159 = tpu.vector_load %arg7[%parallel_loop3A_156, %parallel_loop3A_157, %parallel_loop3A_158] {strides = array<i32>} : memref<16x16x272xf32, #tpu.memory_space<vmem>>, vector<16xf32>,
      tpu.vector_store %arg7[%parallel_loop3A_156, %parallel_loop3A_157, %parallel_loop3A_158], %parallel_loop3A_154 {strides = array<i32>} : memref<16x16x272xf32, #tpu.memory_space<vmem>>, vector<16xf32>,
      %parallel_loop3A_160 = arith.constant 8676 : i32
      %parallel_loop3A_161 = vector.broadcast %parallel_loop3A_160 : i32 to vector<16xi32>
      %parallel_loop3A_162 = arith.addi %parallel_loop3A_78, %parallel_loop3A_161 : vector<16xi32>
      %parallel_loop3A_163 = tpu.vector_load_idx %arg6[%parallel_loop3A_162] : memref<15424xf32, #tpu.memory_space<vmem>>[vector<16xi32>], vector<16xf32>,
      %parallel_loop3A_164 = arith.constant 9 : i32
      %parallel_loop3A_165 = arith.index_cast %parallel_loop3A_164 : i32 to index
      %parallel_loop3A_166 = arith.index_cast %parallel_loop3A_73 : i32 to index
      %parallel_loop3A_167 = arith.index_cast %parallel_loop3A_75 : i32 to index
      %parallel_loop3A_168 = tpu.vector_load %arg7[%parallel_loop3A_165, %parallel_loop3A_166, %parallel_loop3A_167] {strides = array<i32>} : memref<16x16x272xf32, #tpu.memory_space<vmem>>, vector<16xf32>,
      tpu.vector_store %arg7[%parallel_loop3A_165, %parallel_loop3A_166, %parallel_loop3A_167], %parallel_loop3A_163 {strides = array<i32>} : memref<16x16x272xf32, #tpu.memory_space<vmem>>, vector<16xf32>,
      %parallel_loop3A_169 = arith.constant 9640 : i32
      %parallel_loop3A_170 = vector.broadcast %parallel_loop3A_169 : i32 to vector<16xi32>
      %parallel_loop3A_171 = arith.addi %parallel_loop3A_78, %parallel_loop3A_170 : vector<16xi32>
      %parallel_loop3A_172 = tpu.vector_load_idx %arg6[%parallel_loop3A_171] : memref<15424xf32, #tpu.memory_space<vmem>>[vector<16xi32>], vector<16xf32>,
      %parallel_loop3A_173 = arith.constant 10 : i32
      %parallel_loop3A_174 = arith.index_cast %parallel_loop3A_173 : i32 to index
      %parallel_loop3A_175 = arith.index_cast %parallel_loop3A_73 : i32 to index
      %parallel_loop3A_176 = arith.index_cast %parallel_loop3A_75 : i32 to index
      %parallel_loop3A_177 = tpu.vector_load %arg7[%parallel_loop3A_174, %parallel_loop3A_175, %parallel_loop3A_176] {strides = array<i32>} : memref<16x16x272xf32, #tpu.memory_space<vmem>>, vector<16xf32>,
      tpu.vector_store %arg7[%parallel_loop3A_174, %parallel_loop3A_175, %parallel_loop3A_176], %parallel_loop3A_172 {strides = array<i32>} : memref<16x16x272xf32, #tpu.memory_space<vmem>>, vector<16xf32>,
      %parallel_loop3A_178 = arith.constant 10604 : i32
      %parallel_loop3A_179 = vector.broadcast %parallel_loop3A_178 : i32 to vector<16xi32>
      %parallel_loop3A_180 = arith.addi %parallel_loop3A_78, %parallel_loop3A_179 : vector<16xi32>
      %parallel_loop3A_181 = tpu.vector_load_idx %arg6[%parallel_loop3A_180] : memref<15424xf32, #tpu.memory_space<vmem>>[vector<16xi32>], vector<16xf32>,
      %parallel_loop3A_182 = arith.constant 11 : i32
      %parallel_loop3A_183 = arith.index_cast %parallel_loop3A_182 : i32 to index
      %parallel_loop3A_184 = arith.index_cast %parallel_loop3A_73 : i32 to index
      %parallel_loop3A_185 = arith.index_cast %parallel_loop3A_75 : i32 to index
      %parallel_loop3A_186 = tpu.vector_load %arg7[%parallel_loop3A_183, %parallel_loop3A_184, %parallel_loop3A_185] {strides = array<i32>} : memref<16x16x272xf32, #tpu.memory_space<vmem>>, vector<16xf32>,
      tpu.vector_store %arg7[%parallel_loop3A_183, %parallel_loop3A_184, %parallel_loop3A_185], %parallel_loop3A_181 {strides = array<i32>} : memref<16x16x272xf32, #tpu.memory_space<vmem>>, vector<16xf32>,
      %parallel_loop3A_187 = arith.constant 11568 : i32
      %parallel_loop3A_188 = vector.broadcast %parallel_loop3A_187 : i32 to vector<16xi32>
      %parallel_loop3A_189 = arith.addi %parallel_loop3A_78, %parallel_loop3A_188 : vector<16xi32>
      %parallel_loop3A_190 = tpu.vector_load_idx %arg6[%parallel_loop3A_189] : memref<15424xf32, #tpu.memory_space<vmem>>[vector<16xi32>], vector<16xf32>,
      %parallel_loop3A_191 = arith.constant 12 : i32
      %parallel_loop3A_192 = arith.index_cast %parallel_loop3A_191 : i32 to index
      %parallel_loop3A_193 = arith.index_cast %parallel_loop3A_73 : i32 to index
      %parallel_loop3A_194 = arith.index_cast %parallel_loop3A_75 : i32 to index
      %parallel_loop3A_195 = tpu.vector_load %arg7[%parallel_loop3A_192, %parallel_loop3A_193, %parallel_loop3A_194] {strides = array<i32>} : memref<16x16x272xf32, #tpu.memory_space<vmem>>, vector<16xf32>,
      tpu.vector_store %arg7[%parallel_loop3A_192, %parallel_loop3A_193, %parallel_loop3A_194], %parallel_loop3A_190 {strides = array<i32>} : memref<16x16x272xf32, #tpu.memory_space<vmem>>, vector<16xf32>,
      %parallel_loop3A_196 = arith.constant 12532 : i32
      %parallel_loop3A_197 = vector.broadcast %parallel_loop3A_196 : i32 to vector<16xi32>
      %parallel_loop3A_198 = arith.addi %parallel_loop3A_78, %parallel_loop3A_197 : vector<16xi32>
      %parallel_loop3A_199 = tpu.vector_load_idx %arg6[%parallel_loop3A_198] : memref<15424xf32, #tpu.memory_space<vmem>>[vector<16xi32>], vector<16xf32>,
      %parallel_loop3A_200 = arith.constant 13 : i32
      %parallel_loop3A_201 = arith.index_cast %parallel_loop3A_200 : i32 to index
      %parallel_loop3A_202 = arith.index_cast %parallel_loop3A_73 : i32 to index
      %parallel_loop3A_203 = arith.index_cast %parallel_loop3A_75 : i32 to index
      %parallel_loop3A_204 = tpu.vector_load %arg7[%parallel_loop3A_201, %parallel_loop3A_202, %parallel_loop3A_203] {strides = array<i32>} : memref<16x16x272xf32, #tpu.memory_space<vmem>>, vector<16xf32>,
      tpu.vector_store %arg7[%parallel_loop3A_201, %parallel_loop3A_202, %parallel_loop3A_203], %parallel_loop3A_199 {strides = array<i32>} : memref<16x16x272xf32, #tpu.memory_space<vmem>>, vector<16xf32>,
      %parallel_loop3A_205 = arith.constant 13496 : i32
      %parallel_loop3A_206 = vector.broadcast %parallel_loop3A_205 : i32 to vector<16xi32>
      %parallel_loop3A_207 = arith.addi %parallel_loop3A_78, %parallel_loop3A_206 : vector<16xi32>
      %parallel_loop3A_208 = tpu.vector_load_idx %arg6[%parallel_loop3A_207] : memref<15424xf32, #tpu.memory_space<vmem>>[vector<16xi32>], vector<16xf32>,
      %parallel_loop3A_209 = arith.constant 14 : i32
      %parallel_loop3A_210 = arith.index_cast %parallel_loop3A_209 : i32 to index
      %parallel_loop3A_211 = arith.index_cast %parallel_loop3A_73 : i32 to index
      %parallel_loop3A_212 = arith.index_cast %parallel_loop3A_75 : i32 to index
      %parallel_loop3A_213 = tpu.vector_load %arg7[%parallel_loop3A_210, %parallel_loop3A_211, %parallel_loop3A_212] {strides = array<i32>} : memref<16x16x272xf32, #tpu.memory_space<vmem>>, vector<16xf32>,
      tpu.vector_store %arg7[%parallel_loop3A_210, %parallel_loop3A_211, %parallel_loop3A_212], %parallel_loop3A_208 {strides = array<i32>} : memref<16x16x272xf32, #tpu.memory_space<vmem>>, vector<16xf32>,
      %parallel_loop3A_214 = arith.constant 14460 : i32
      %parallel_loop3A_215 = vector.broadcast %parallel_loop3A_214 : i32 to vector<16xi32>
      %parallel_loop3A_216 = arith.addi %parallel_loop3A_78, %parallel_loop3A_215 : vector<16xi32>
      %parallel_loop3A_217 = tpu.vector_load_idx %arg6[%parallel_loop3A_216] : memref<15424xf32, #tpu.memory_space<vmem>>[vector<16xi32>], vector<16xf32>,
      %parallel_loop3A_218 = arith.constant 15 : i32
      %parallel_loop3A_219 = arith.index_cast %parallel_loop3A_218 : i32 to index
      %parallel_loop3A_220 = arith.index_cast %parallel_loop3A_73 : i32 to index
      %parallel_loop3A_221 = arith.index_cast %parallel_loop3A_75 : i32 to index
      %parallel_loop3A_222 = tpu.vector_load %arg7[%parallel_loop3A_219, %parallel_loop3A_220, %parallel_loop3A_221] {strides = array<i32>} : memref<16x16x272xf32, #tpu.memory_space<vmem>>, vector<16xf32>,
      tpu.vector_store %arg7[%parallel_loop3A_219, %parallel_loop3A_220, %parallel_loop3A_221], %parallel_loop3A_217 {strides = array<i32>} : memref<16x16x272xf32, #tpu.memory_space<vmem>>, vector<16xf32>,
    } {sc.loop_unroll_factor = 4 : i64, sc.parallel_access}
    "tpu.region"() ({
      %run_scoped3A = tpu.sem_alloc : memref<!tpu.dma_semaphore, #tpu.memory_space<semaphore_mem>>
      %dma_start3A_49 = arith.constant 0 : i32
      %dma_start3A_50 = arith.constant 0 : i32
      %dma_start3A_51 = arith.constant 0 : i32
      %dma_start3A_52 = tpu.memref_slice %arg7[%dma_start3A_49, %dma_start3A_50, %dma_start3A_51] : memref<16x16x272xf32, #tpu.memory_space<vmem>> -> memref<16x8x272xf32, #tpu.memory_space<vmem>>
      %dma_start3A_53 = arith.constant 0 : i32
      %dma_start3A_54 = arith.constant 0 : i32
      %dma_start3A_55 = tpu.memref_slice %arg4[%dma_start3A_53, %mul3A_2, %dma_start3A_54] : memref<16x264x272xf32, #tpu.memory_space<hbm>> -> memref<16x8x272xf32, #tpu.memory_space<hbm>>
      %dma_start3A_56 = arith.constant 0 : i32
      %dma_start3A_57 = arith.constant 0 : i32
      %dma_start3A_58 = tpu.memref_slice %arg4[%dma_start3A_56, %mul3A_2, %dma_start3A_57] : memref<16x264x272xf32, #tpu.memory_space<hbm>> -> memref<16x8x272xf32, #tpu.memory_space<hbm>>
      %dma_start3A_59 = arith.constant 0 : i32
      %dma_start3A_60 = arith.constant 0 : i32
      %dma_start3A_61 = arith.constant 0 : i32
      %dma_start3A_62 = tpu.memref_slice %arg7[%dma_start3A_59, %dma_start3A_60, %dma_start3A_61] : memref<16x16x272xf32, #tpu.memory_space<vmem>> -> memref<16x8x272xf32, #tpu.memory_space<vmem>>
      tpu.enqueue_dma source(%dma_start3A_62 : memref<16x8x272xf32, #tpu.memory_space<vmem>>) target(%dma_start3A_58 : memref<16x8x272xf32, #tpu.memory_space<hbm>>) target_semaphore(%run_scoped3A : memref<!tpu.dma_semaphore, #tpu.memory_space<semaphore_mem>>)
      %dma_wait3A_63 = arith.constant 0 : i32
      %dma_wait3A_64 = arith.constant 0 : i32
      %dma_wait3A_65 = arith.constant 0 : i32
      %dma_wait3A_66 = tpu.memref_slice %arg7[%dma_wait3A_63, %dma_wait3A_64, %dma_wait3A_65] : memref<16x16x272xf32, #tpu.memory_space<vmem>> -> memref<16x8x272xf32, #tpu.memory_space<vmem>>
      %dma_wait3A_67 = arith.constant 0 : i32
      %dma_wait3A_68 = arith.constant 0 : i32
      %dma_wait3A_69 = tpu.memref_slice %arg4[%dma_wait3A_67, %mul3A_2, %dma_wait3A_68] : memref<16x264x272xf32, #tpu.memory_space<hbm>> -> memref<16x8x272xf32, #tpu.memory_space<hbm>>
      %dma_wait3A_70 = arith.constant 0 : i32
      %dma_wait3A_71 = arith.constant 0 : i32
      %dma_wait3A_72 = tpu.memref_slice %arg4[%dma_wait3A_70, %mul3A_2, %dma_wait3A_71] : memref<16x264x272xf32, #tpu.memory_space<hbm>> -> memref<16x8x272xf32, #tpu.memory_space<hbm>>
      %dma_wait3A_73 = arith.constant 0 : i32
      %dma_wait3A_74 = arith.constant 0 : i32
      %dma_wait3A_75 = arith.constant 0 : i32
      %dma_wait3A_76 = tpu.memref_slice %arg7[%dma_wait3A_73, %dma_wait3A_74, %dma_wait3A_75] : memref<16x16x272xf32, #tpu.memory_space<vmem>> -> memref<16x8x272xf32, #tpu.memory_space<vmem>>
      tpu.wait_dma2 semaphore(%run_scoped3A : memref<!tpu.dma_semaphore, #tpu.memory_space<semaphore_mem>>) src(%dma_wait3A_76 : memref<16x8x272xf32, #tpu.memory_space<vmem>>) dst(%dma_wait3A_72 : memref<16x8x272xf32, #tpu.memory_space<hbm>>)
      tpu.yield
    }) : () -> ()
    %eq3A = arith.constant 0 : i32
    %eq3A_47 = arith.cmpi eq, %add3A, %eq3A : i32
    %convert_element_type3A = arith.extui %eq3A_47 : i1 to i32
    %cond3A = arith.constant 0 : i32
    %cond3A_48 = arith.cmpi ne, %convert_element_type3A, %cond3A : i32
    scf.if %cond3A_48 {
      "tpu.region"() ({
        %run_scoped3A = tpu.sem_alloc : memref<!tpu.dma_semaphore, #tpu.memory_space<semaphore_mem>>
        %dma_start3A_49 = arith.constant 0 : i32
        %dma_start3A_50 = arith.constant 8 : i32
        %dma_start3A_51 = arith.constant 0 : i32
        %dma_start3A_52 = tpu.memref_slice %arg7[%dma_start3A_49, %dma_start3A_50, %dma_start3A_51] : memref<16x16x272xf32, #tpu.memory_space<vmem>> -> memref<16x8x272xf32, #tpu.memory_space<vmem>>
        %dma_start3A_53 = arith.constant 0 : i32
        %dma_start3A_54 = arith.constant 256 : i32
        %dma_start3A_55 = arith.constant 0 : i32
        %dma_start3A_56 = tpu.memref_slice %arg4[%dma_start3A_53, %dma_start3A_54, %dma_start3A_55] : memref<16x264x272xf32, #tpu.memory_space<hbm>> -> memref<16x8x272xf32, #tpu.memory_space<hbm>>
        %dma_start3A_57 = arith.constant 0 : i32
        %dma_start3A_58 = arith.constant 256 : i32
        %dma_start3A_59 = arith.constant 0 : i32
        %dma_start3A_60 = tpu.memref_slice %arg4[%dma_start3A_57, %dma_start3A_58, %dma_start3A_59] : memref<16x264x272xf32, #tpu.memory_space<hbm>> -> memref<16x8x272xf32, #tpu.memory_space<hbm>>
        %dma_start3A_61 = arith.constant 0 : i32
        %dma_start3A_62 = arith.constant 8 : i32
        %dma_start3A_63 = arith.constant 0 : i32
        %dma_start3A_64 = tpu.memref_slice %arg7[%dma_start3A_61, %dma_start3A_62, %dma_start3A_63] : memref<16x16x272xf32, #tpu.memory_space<vmem>> -> memref<16x8x272xf32, #tpu.memory_space<vmem>>
        tpu.enqueue_dma source(%dma_start3A_64 : memref<16x8x272xf32, #tpu.memory_space<vmem>>) target(%dma_start3A_60 : memref<16x8x272xf32, #tpu.memory_space<hbm>>) target_semaphore(%run_scoped3A : memref<!tpu.dma_semaphore, #tpu.memory_space<semaphore_mem>>)
        %dma_wait3A_65 = arith.constant 0 : i32
        %dma_wait3A_66 = arith.constant 8 : i32
        %dma_wait3A_67 = arith.constant 0 : i32
        %dma_wait3A_68 = tpu.memref_slice %arg7[%dma_wait3A_65, %dma_wait3A_66, %dma_wait3A_67] : memref<16x16x272xf32, #tpu.memory_space<vmem>> -> memref<16x8x272xf32, #tpu.memory_space<vmem>>
        %dma_wait3A_69 = arith.constant 0 : i32
        %dma_wait3A_70 = arith.constant 256 : i32
        %dma_wait3A_71 = arith.constant 0 : i32
        %dma_wait3A_72 = tpu.memref_slice %arg4[%dma_wait3A_69, %dma_wait3A_70, %dma_wait3A_71] : memref<16x264x272xf32, #tpu.memory_space<hbm>> -> memref<16x8x272xf32, #tpu.memory_space<hbm>>
        %dma_wait3A_73 = arith.constant 0 : i32
        %dma_wait3A_74 = arith.constant 256 : i32
        %dma_wait3A_75 = arith.constant 0 : i32
        %dma_wait3A_76 = tpu.memref_slice %arg4[%dma_wait3A_73, %dma_wait3A_74, %dma_wait3A_75] : memref<16x264x272xf32, #tpu.memory_space<hbm>> -> memref<16x8x272xf32, #tpu.memory_space<hbm>>
        %dma_wait3A_77 = arith.constant 0 : i32
        %dma_wait3A_78 = arith.constant 8 : i32
        %dma_wait3A_79 = arith.constant 0 : i32
        %dma_wait3A_80 = tpu.memref_slice %arg7[%dma_wait3A_77, %dma_wait3A_78, %dma_wait3A_79] : memref<16x16x272xf32, #tpu.memory_space<vmem>> -> memref<16x8x272xf32, #tpu.memory_space<vmem>>
        tpu.wait_dma2 semaphore(%run_scoped3A : memref<!tpu.dma_semaphore, #tpu.memory_space<semaphore_mem>>) src(%dma_wait3A_80 : memref<16x8x272xf32, #tpu.memory_space<vmem>>) dst(%dma_wait3A_76 : memref<16x8x272xf32, #tpu.memory_space<hbm>>)
        tpu.yield
      }) : () -> ()
    } else {
    }
    return
  }
}

</mosaic_0001>

<sc_bundles>
// kernel: kernel.3.cloned.1.call-start
scs
__scs_entry_jumppad:
0x0: {  	(pc) =	sbr.rel $0x88, $3  }
0x1: {  	(tag) =	ssettag $0x0;
	lr =	simm.s32 $0x1  }
0x2: {  	[smem:$0x3F9F] =	sst lr;
	_ =	strace $0xD0000000  }
0x3: {  	_ = 	snop  }
0x4: {  	_ = 	snop  }
0x5: {  	_ = 	snop  }
0x6: {  	_ = 	snop  }
0x7: {  	_ = 	snop  }
__scs_overlays_trampoline_lowered:
0x8: {  	[smem:$0x3FAE] =	sst s0  }
0x9: {  	[smem:$0x3FAF] =	sst s1  }
0xa: {  	[smem:$0x3FB0] =	sst s2  }
0xb: {  	[smem:$0x3FB1] =	sst s3  }
0xc: {  	[smem:$0x3FB2] =	sst s4  }
0xd: {  	[smem:$0x3FB3] =	sst s5  }
0xe: {  	[smem:$0x3FB4] =	sst s6  }
0xf: {  	[smem:$0x3FB5] =	sst s7  }
0x10: {  	[smem:$0x3FB6] =	sst s8  }
0x11: {  	[smem:$0x3FB7] =	sst s9;
	s0 =	simm.s32 @!p0 $0x0  }
0x12: {  	s1 =	sld [smem:$0x3F9D];
	s0 =	simm.s32 @p0 $0x1  }
0x13: {  	[smem:$0x3FB8] =	sst s0;
	s0 =	simm.s32 @!p1 $0x0  }
0x14: {  	s2 =	sld [smem:$0x3F9C];
	s0 =	simm.s32 @p1 $0x1  }
0x15: {  	[smem:$0x3FB9] =	sst s0;
	s0 =	simm.s32 @!p2 $0x0  }
0x16: {  	s3 =	sld [smem:$0x3FDB];
	s0 =	simm.s32 @p2 $0x1  }
0x17: {  	s4 =	simm.s32 $0x1BF5;
	[smem:$0x3FBB] =	sst s0  }
0x18: {  	s0 =	sld [smem:$0x3F9E];
	_ =	swait.ge [sflag:s4], $0x0  }
0x19: {  	s7 =	sld [smem:$0x3F9F]  }
0x1a: {  	s8 =	sadd.s32 $0xFFFFE003, lr  }
0x1b: {  	s9 =	sadd.s32 $0xFFFFFEF7, lr;
	s5 =	simm.s32 $0xFFFFFFFF;
	p2 =	slt.u32 s8, $0xFFFFF086  }
0x1c: {  	p1 =	slt.u32 s9, $0xF7A;
	s5 =	simm.s32 @!p2 $0x0  }
0x1d: {  	s5 =	simm.s32 @p1 $0x1;
	p0 =	seq.s32 s7, s2  }
0x1e: {  	s7 =	smul.u32 @!p0 $0xF7A, s2;
	p2 =	seq.s32 @!p0 s5, $0x0  }
0x1f: {  	s9 =	smul.u32 $0xF7A, s1;
	s8 =	simm.s32 @!p0 $0x1BF5;
	p2 =	por !p2, p0  }
0x20: {  	[sflag:s8] =	ssyncset.s32 @!p0 $0xFFFFF086;
	s6 =	sadd.s32 @!p0 s3, s7;
	s7 =	simm.s32 @!p0 $0x108  }
0x21: {  	s3 =	sadd.s32 s3, s9;
	s6 =	sadd.s32 @!p0 $0x88, s6;
	s7 =	simm.s32 @p2 $0x1082  }
0x22: {  	[simem:s7], [sflag:s8] =	dma.local @!p0 [hbm:s6], $0xF7A  }
0x23: {  	s9 =	sor.u32 $0xD0000000, s2;
	s6 =	simm.s32 $0x108;
	_ =	swait.ge @!p0 [sflag:s8], $0x0  }
0x24: {  	s3 =	sadd.s32 $0x88, s3;
	s6 =	simm.s32 @!p1 $0x1082;
	[sflag:s4] =	ssyncset.s32 $0xFFFFF086  }
0x25: {  	[simem:s6], [sflag:s4] =	dma.local [hbm:s3], $0xF7A  }
0x26: {  	[smem:$0x3F9F] =	sst s1;
	(tag) =	ssettag s2;
	_ =	strace s9  }
0x27: {  	s1 =	sld [smem:$0x3FAF]  }
0x28: {  	s2 =	sld [smem:$0x3FB0]  }
0x29: {  	s4 =	sld [smem:$0x3FB2]  }
0x2a: {  	p0 =	seq.s32 s5, $0x0;
	s5 =	sld [smem:$0x3FB3]  }
0x2b: {  	s6 =	sld [smem:$0x3FB4]  }
0x2c: {  	s7 =	sld [smem:$0x3FB5]  }
0x2d: {  	s3 =	simm.s32 $0x108;
	s8 =	sld [smem:$0x3FB6]  }
0x2e: {  	s3 =	simm.s32 @!p0 $0x1082;
	s9 =	sld [smem:$0x3FB7]  }
0x2f: {  	lr =	sadd.s32 s0, s3;
	s0 =	sld [smem:$0x3FAE]  }
0x30: {  	s3 =	sld [smem:$0x3FB1]  }
0x31: {  	[smem:$0x3FBA] =	sst s10  }
0x32: {  	s10 =	sld [smem:$0x3FB8];
	_ =	sdelay $0x3  }
0x33: {  	p0 =	seq.s32 s10, $0x1;
	s10 =	sld [smem:$0x3FBA];
	_ =	sdelay $0x3  }
0x34: {  	[smem:$0x3FBA] =	sst s10  }
0x35: {  	s10 =	sld [smem:$0x3FB9];
	_ =	sdelay $0x3  }
0x36: {  	p1 =	seq.s32 s10, $0x1;
	s10 =	sld [smem:$0x3FBA];
	_ =	sdelay $0x3  }
0x37: {  	[smem:$0x3FBA] =	sst s10  }
0x38: {  	s10 =	sld [smem:$0x3FBB]  }
0x39: {  	_ = 	snop;
	(pc) =	sbr.ind lr, $3  }
0x3a: {  	_ = 	snop  }
0x3b: {  	_ = 	snop  }
0x3c: {  	p2 =	seq.s32 s10, $0x1;
	s10 =	sld [smem:$0x3FBA]  }
0x3d: {  	_ =	shalt  }
0x3e: {  	_ =	shalt  }
0x3f: {  	_ =	shalt  }
0x40: {  	_ =	shalt  }
0x41: {  	_ =	shalt  }
0x42: {  	_ =	shalt  }
0x43: {  	_ =	shalt  }
0x44: {  	_ =	shalt  }
0x45: {  	_ =	shalt  }
0x46: {  	_ =	shalt  }
0x47: {  	_ =	shalt  }
0x48: {  	_ =	shalt  }
0x49: {  	_ =	shalt  }
0x4a: {  	_ =	shalt  }
0x4b: {  	_ =	shalt  }
0x4c: {  	_ =	shalt  }
0x4d: {  	_ =	shalt  }
0x4e: {  	_ =	shalt  }
0x4f: {  	_ =	shalt  }
0x50: {  	_ =	shalt  }
0x51: {  	_ =	shalt  }
0x52: {  	_ =	shalt  }
0x53: {  	_ =	shalt  }
0x54: {  	_ =	shalt  }
0x55: {  	_ =	shalt  }
0x56: {  	_ =	shalt  }
0x57: {  	_ =	shalt  }
0x58: {  	_ =	shalt  }
0x59: {  	_ =	shalt  }
0x5a: {  	_ =	shalt  }
0x5b: {  	_ =	shalt  }
0x5c: {  	_ =	shalt  }
0x5d: {  	_ =	shalt  }
0x5e: {  	_ =	shalt  }
0x5f: {  	_ =	shalt  }
0x60: {  	_ =	shalt  }
0x61: {  	_ =	shalt  }
0x62: {  	_ =	shalt  }
0x63: {  	_ =	shalt  }
0x64: {  	_ =	shalt  }
0x65: {  	_ =	shalt  }
0x66: {  	_ =	shalt  }
0x67: {  	_ =	shalt  }
0x68: {  	_ =	shalt  }
0x69: {  	_ =	shalt  }
0x6a: {  	_ =	shalt  }
0x6b: {  	_ =	shalt  }
0x6c: {  	_ =	shalt  }
0x6d: {  	_ =	shalt  }
0x6e: {  	_ =	shalt  }
0x6f: {  	_ =	shalt  }
0x70: {  	_ =	shalt  }
0x71: {  	_ =	shalt  }
0x72: {  	_ =	shalt  }
0x73: {  	_ =	shalt  }
0x74: {  	_ =	shalt  }
0x75: {  	_ =	shalt  }
0x76: {  	_ =	shalt  }
0x77: {  	_ =	shalt  }
0x78: {  	_ =	shalt  }
0x79: {  	_ =	shalt  }
0x7a: {  	_ =	shalt  }
0x7b: {  	_ =	shalt  }
0x7c: {  	_ =	shalt  }
0x7d: {  	_ =	shalt  }
0x7e: {  	_ =	shalt  }
0x7f: {  	_ =	shalt  }
0x80: {  	_ =	shalt  }
0x81: {  	_ =	shalt  }
0x82: {  	_ =	shalt  }
0x83: {  	_ =	shalt  }
0x84: {  	_ =	shalt  }
0x85: {  	_ =	shalt  }
0x86: {  	_ =	shalt  }
0x87: {  	_ =	shalt  }
.Lfunc_end0:
.L_simem_size_0:
called_computation_lowered:
.L_overlay_start_0:
0x88: {  	s2 =	sld [smem:$0x3FD9]  }
0x89: {  	s3 =	sld [smem:$0x3FFE];
	_ =	sdelay $0x1  }
0x8a: {  	s1 =	srdreg.scid  }
0x8b: {  	s0 =	sand.u32 $0x1, s1  }
0x8c: {  	s17 =	sshll.u32 s0, $0xA;
	s2 =	sadd.s32 s3, s2  }
0x8d: {  	s2 =	sadd.s32 s2, s17  }
0x8e: {  	[smem:$0x3FC6] =	sst s2  }
0x8f: {  	_ = 	snop  }
0x90: {  	s2 =	sld [smem:$0x3FD0];
	(tm) =	ssettm $0x1  }
0x91: {  	s18 =	sld [smem:$0x3FFB];
	_ =	sdelay $0x3  }
0x92: {  	_ =	strace s18  }
0x93: {  	s3 =	sld [smem:$0x3FFC];
	_ =	sdelay $0x3  }
0x94: {  	_ =	strace s3  }
0x95: {  	s3 =	sld [smem:$0x3FFD];
	_ =	sdelay $0x3  }
0x96: {  	_ =	strace s3  }
0x97: {  	_ =	strace $0x8FFFFFFF  }
0x98: {  	s19 =	sld [smem:$0x3FDB];
	_ =	sdelay $0x1  }
0x99: {  	s4 =	simm.s32 $_scs_section_size  }
0x9a: {  	s5 =	simm.s32 $_size__tile_overlayer_lowered;
	s6 =	simm.s32 $_tile_overlayer_lowered  }
0x9b: {  	s22 =	simm.s32 $0x1BFF;
	s21 =	sshll.u32 s6, $0x1;
	s3 =	sadd.s32 s4, s19  }
0x9c: {  	s7 =	simm.s32 $0x0;
	s20 =	sshll.u32 s5, $0x1;
	s5 =	sadd.s32 s21, s3  }
0x9d: {  	[timem:s7], [sflag:s22] =	dma.local [hbm:s5], s20  }
0x9e: {  	_ =	swait.ge [sflag:s22], s20  }
0x9f: {  	s4 =	ssub.s32 $0x0, s20;
	[sflag:s22] =	ssyncset.done $0x0  }
0xa0: {  	[sflag:s22] =	ssyncadd.s32 s4;
	_ =	sdelay $0x1  }
0xa1: {  	s23 =	simm.s32 $0x1B8B  }
0xa2: {  	_ =	swait.ge [sflag:s23], $0x1  }
0xa3: {  	[sflag:s23] =	ssyncset.done $0x0  }
0xa4: {  	s25 =	simm.s32 $0x1B8E;
	s24 =	sld [smem:$0x3FFE];
	[sflag:s23] =	ssyncadd.s32 $0xFFFFFFFF  }
0xa5: {  	s26 =	simm.s32 $execute0_lowered;
	[smem:$0x3FD2] =	sst s25  }
0xa6: {  	s5 =	sshll.u32 s26, $0x1;
	_ =	strace $0x80000046;
	[dreg:$0x1] =	wrdreg $0xFFFFFFFF  }
0xa7: {  	s28 =	simm.s32 $_size_execute0_lowered;
	s3 =	sadd.s32 s3, s5;
	[dreg:$0x0] =	wrdreg $0x0  }
0xa8: {  	s5 =	sshll.u32 s28, $0x1;
	[dreg:$0x2] =	wrdreg s3  }
0xa9: {  	[dreg:$0x3] =	wrdreg s5  }
0xaa: {  	[dreg:$0x4] =	wrdreg $0xC0  }
0xab: {  	_ =	task [dreg:s7], $0x5FFFF  }
0xac: {  	[dreg:$0x1] =	wrdreg $0xFFFFFFFF  }
0xad: {  	[dreg:$0x0] =	wrdreg $0x60  }
0xae: {  	[dreg:$0x2] =	wrdreg s2  }
0xaf: {  	[dreg:$0x3] =	wrdreg s24  }
0xb0: {  	[dreg:$0x4] =	wrdreg $0x9  }
0xb1: {  	_ =	task.clear_ibuf [dreg:s7], $0x5FFFF;
	_ =	strace $0x90000046  }
0xb2: {  	s29 =	simm.s32 $0x9;
	_ =	strace $0x80000048  }
0xb3: {  	_ =	swait.ge [sflag:s29], $0x1  }
0xb4: {  	[sflag:s29] =	ssyncadd.s32 $0xFFFFFFFF  }
0xb5: {  	_ =	strace $0x90000048  }
0xb6: {  	_ =	sfence  }
0xb7: {  	s30 =	sld [smem:$0x0];
	_ =	sdelay $0x2  }
0xb8: {  	s31 =	sshll.u32 s1, $0xD;
	s1 =	sshrl.u32 s1, $0x2  }
0xb9: {  	s3 =	sand.u32 $0x4000, s31;
	s1 =	sadd.s32 s1, s30  }
0xba: {  	s0 =	sor.u32 s3, s0;
	s1 =	sshll.u32 s1, $0x11  }
0xbb: {  	s0 =	sor.u32 s1, s0  }
0xbc: {  	s0 =	sadd.s32 $0x8F2B, s0  }
0xbd: {  	[sflag:s0] =	ssyncadd.remote.s32 $0x1  }
0xbe: {  	_ =	sfence.sel $0xFFFF  }
0xbf: {  	[dreg:$0x0] =	wrdreg $0xFFFFFFFF;
	(pc) =	sbr.abs _section_cstart, $3  }
0xc0: {  	[dreg:$0x1] =	wrdreg $0xFFFFFFFF  }
0xc1: {  	_ =	task.clear_ibuf [dreg:s7], $0x2FFFF;
	_ =	strace $0x9FFFFFFF  }
0xc2: {  	(tm) =	ssettm $0x7FFFFFFF  }
0xc3: {  	_ =	shalt  }
tec
execute0_lowered:
.L_overlay_start_1:
0x0: {  	(tag) =	ssettag $0x1  }
0x1: {  	s0 =	rddreg [dreg:$0x0];
	s1 =	srdreg.scid  }
0x2: {  	s2 =	stileid.u32;
	s7 =	rddreg [dreg:$0x1];
	s10 =	simm.s32 $0x1800  }
0x3: {  	s11 =	simm.s32 $0x1;
	s12 =	simm.s32 $0x2;
	s13 =	simm.s32 $0x3  }
0x4: {  	s31 =	simm.s32 $0x4;
	s1 =	sand.u32 $0x1, s1;
	s3 =	sshll.u32 s2, $0x1  }
0x5: {  	s2 =	simm.s32 $0x0;
	s28 =	sadd.s32 $0x400, s7;
	s9 =	sor.u32 s1, s3  }
0x6: {  	[smem:$0x7FF] =	sst s2;
	s1 =	ssub.s32 $0x2, s1;
	s4 =	smul.u32 $0x180, s9  }
0x7: {  	_ =	strace $0x80000047;
	[dreg:$0x3] =	wrdreg s28;
	s5 =	sshrl.u32 s1, $0x1  }
0x8: {  	p0 =	sne.s32 s9, $0x0;
	s1 =	ssub.s32 s1, s5;
	s29 =	sadd.s32 s0, s4  }
0x9: {  	s6 =	sadd.s32 s4, s7;
	s0 =	sadd.s32 $0x3000, s0;
	[dreg:$0x4] =	wrdreg s29  }
0xa: {  	s7 =	sadd.s32 $0x3C00, s7;
	s30 =	smax.u32 s1, $0x1;
	[dreg:$0x5] =	wrdreg s0  }
0xb: {  	s1 =	simm.s32 $0x0;
	s6 =	sadd.s32 $0xC00, s6;
	[dreg:$0x6] =	wrdreg s30  }
.LBB2_1:
0xc: {  	s0 =	rddreg [dreg:$0x4];
	s22 =	simm.s32 $0x0  }
0xd: {  	[tilespmem:s2], [sflag:$0x1] =	stream.linear.gather [hbm4b:s0+s2], $0xC00, $0x38;
	[tilespmem:$0x1D480] =	vst v63  }
0xe: {  	s9 =	sor.u32 $0x30, s22  }
0xf: {  	s21 =	rddreg [dreg:$0x5];
	s3 =	simm.s32 $0xC00;
	s14 =	sand.u32 $0xFFFF, s9  }
0x10: {  	[tilespmem:s3], [sflag:$0x2] =	stream.linear.gather [hbm4b:s21+s2], $0xC00, $0x38;
	[tilespmem:$0x1D480] =	vst v63  }
0x11: {  	s23 =	rddreg [dreg:$0x3];
	s14 =	smul.u32 $0xF0F1, s14  }
0x12: {  	[tilespmem:s10], [sflag:$0x3] =	stream.linear.gather [hbm4b:s23+s2], $0x3C80, $0x38;
	[tilespmem:$0x1D480] =	vst v63  }
0x13: {  	s15 =	sshrl.u32 s14, $0x18;
	_ =	swait.ge [sflag:s11], $0xC00  }
0x14: {  	s15 =	smul.u32 $0x110, s15;
	[sflag:s11] =	ssyncset.done $0x0  }
0x15: {  	[sflag:s11] =	ssyncadd.s32 $0xFFFFF400  }
0x16: {  	s24 =	sshrl.u32 s14, $0x1B;
	s9 =	ssub.s32 s9, s15;
	_ =	swait.ge [sflag:s12], $0xC00  }
0x17: {  	s15 =	smul.u32 $0xC00, s24;
	s16 =	sshll.u32 s9, $0x3;
	[sflag:s12] =	ssyncset.done $0x0  }
0x18: {  	s14 =	sshrl.u32 s14, $0x11;
	s16 =	sand.u32 $0xC00, s16;
	[sflag:s12] =	ssyncadd.s32 $0xFFFFF400  }
0x19: {  	s14 =	sand.u32 $0x380, s14;
	s15 =	sadd.s32 s16, s15;
	_ =	swait.ge [sflag:s13], $0x3C80  }
0x1a: {  	s9 =	sand.u32 $0x70, s9;
	s14 =	sor.u32 s14, s15;
	[sflag:s13] =	ssyncset.done $0x0  }
0x1b: {  	s20 =	sor.u32 s9, s14;
	[sflag:s13] =	ssyncadd.s32 $0xFFFFC380  }
0x1c: {  	v3 =	vld [tilespmem:s20+$0x0];
	_ =	sdelay $0x7  }
0x1d: {  	v0 =	vld.idx.msk [tilespmem:v3+s10+$0x0], $0xffff  }
0x1e: {  	v1 =	vadd.s32 $0x3C4, v3;
	_ =	sdelay $0x3  }
0x1f: {  	[tilespmem:s20+$0x5480] =	vst v0  }
0x20: {  	v0 =	vld.idx.msk [tilespmem:v1+s10+$0x0], $0xffff  }
0x21: {  	v1 =	vadd.s32 $0x788, v3;
	_ =	sdelay $0x3  }
0x22: {  	s0 =	smul.u32 $0xF0F1, s22;
	[tilespmem:s20+$0x6C80] =	vst v0  }
0x23: {  	v0 =	vld.idx.msk [tilespmem:v1+s10+$0x0], $0xffff  }
0x24: {  	s25 =	sor.u32 $0x10, s22;
	s19 =	sshrl.u32 s0, $0x18;
	v1 =	vadd.s32 $0xB4C, v3  }
0x25: {  	s26 =	sor.u32 $0x20, s22;
	s28 =	sand.u32 $0xFFFF, s25;
	s19 =	smul.u32 $0x110, s19  }
0x26: {  	s29 =	sand.u32 $0xFFFF, s26;
	s3 =	sshrl.u32 s0, $0x1B;
	s15 =	smul.u32 $0xF0F1, s28  }
0x27: {  	s0 =	sshrl.u32 s0, $0x11;
	s30 =	ssub.s32 $0x0, s19;
	s16 =	smul.u32 $0xF0F1, s29  }
0x28: {  	s19 =	smul.u32 $0xC00, s3;
	s24 =	sshll.u32 s30, $0x3;
	s17 =	sshrl.u32 s15, $0x18;
	[tilespmem:s20+$0x8480] =	vst v0  }
0x29: {  	s24 =	sand.u32 $0xC00, s24;
	s18 =	sshrl.u32 s16, $0x18;
	s17 =	smul.u32 $0x110, s17;
	v0 =	vld.idx.msk [tilespmem:v1+s10+$0x0], $0xffff  }
0x2a: {  	s22 =	sshrl.u32 s16, $0x1B;
	s16 =	sshrl.u32 s16, $0x11;
	s18 =	smul.u32 $0x110, s18;
	v1 =	vadd.s32 $0xF10, v3  }
0x2b: {  	s21 =	sshrl.u32 s15, $0x1B;
	s5 =	smul.u32 $0xC00, s22;
	s9 =	ssub.s32 s25, s17  }
0x2c: {  	s15 =	sshrl.u32 s15, $0x11;
	s21 =	smul.u32 $0xC00, s21;
	s4 =	sshll.u32 s9, $0x3  }
0x2d: {  	s16 =	sand.u32 $0x380, s16;
	s18 =	ssub.s32 s26, s18;
	s14 =	sand.u32 $0xC00, s4  }
0x2e: {  	s15 =	sand.u32 $0x380, s15;
	s23 =	sshll.u32 s18, $0x3;
	s14 =	sadd.s32 s14, s21;
	[tilespmem:s20+$0x9C80] =	vst v0  }
0x2f: {  	s9 =	sand.u32 $0x70, s9;
	s8 =	sand.u32 $0xC00, s23;
	s14 =	sor.u32 s15, s14;
	v0 =	vld.idx.msk [tilespmem:v1+s10+$0x0], $0xffff  }
0x30: {  	s22 =	sand.u32 $0x70, s18;
	v4 =	vadd.s32 $0x12D4, v3;
	s15 =	sadd.s32 s8, s5;
	s14 =	sor.u32 s9, s14  }
0x31: {  	s23 =	sand.u32 $0x380, s0;
	s15 =	sor.u32 s16, s15;
	s9 =	sadd.s32 s24, s19;
	v1 =	vld [tilespmem:s14+$0x0]  }
0x32: {  	s24 =	sand.u32 $0x70, s30;
	s0 =	sor.u32 s22, s15;
	s9 =	sor.u32 s23, s9  }
0x33: {  	v2 =	vld [tilespmem:s0+$0x0];
	s9 =	sor.u32 s24, s9  }
0x34: {  	v10 =	vld [tilespmem:s9+$0x0];
	[tilespmem:s20+$0xB480] =	vst v0  }
0x35: {  	v0 =	vld.idx.msk [tilespmem:v4+s10+$0x0], $0xffff  }
0x36: {  	v4 =	vadd.s32 $0x1698, v3;
	_ =	sdelay $0x2  }
0x37: {  	v5 =	vld.idx.msk [tilespmem:v1+s10+$0x0], $0xffff  }
0x38: {  	v6 =	vadd.s32 $0x3C4, v1;
	[tilespmem:s20+$0xCC80] =	vst v0  }
0x39: {  	v0 =	vld.idx.msk [tilespmem:v4+s10+$0x0], $0xffff  }
0x3a: {  	v7 =	vld.idx.msk [tilespmem:v2+s10+$0x0], $0xffff;
	v4 =	vadd.s32 $0x1A5C, v3  }
0x3b: {  	v8 =	vadd.s32 $0x3C4, v2;
	v9 =	vld.idx.msk [tilespmem:v10+s10+$0x0], $0xffff  }
0x3c: {  	[tilespmem:s14+$0x5480] =	vst v5;
	v5 =	vadd.s32 $0x3C4, v10  }
0x3d: {  	v6 =	vld.idx.msk [tilespmem:v6+s10+$0x0], $0xffff  }
0x3e: {  	v11 =	vadd.s32 $0x788, v1;
	[tilespmem:s20+$0xE480] =	vst v0  }
0x3f: {  	[tilespmem:s0+$0x5480] =	vst v7;
	v0 =	vld.idx.msk [tilespmem:v4+s10+$0x0], $0xffff  }
0x40: {  	[tilespmem:s9+$0x5480] =	vst v9;
	v7 =	vld.idx.msk [tilespmem:v8+s10+$0x0], $0xffff;
	v4 =	vadd.s32 $0x1E20, v3  }
0x41: {  	v8 =	vadd.s32 $0x788, v2;
	v5 =	vld.idx.msk [tilespmem:v5+s10+$0x0], $0xffff  }
0x42: {  	[tilespmem:s14+$0x6C80] =	vst v6  }
0x43: {  	v6 =	vadd.s32 $0x788, v10;
	v9 =	vld.idx.msk [tilespmem:v11+s10+$0x0], $0xffff  }
0x44: {  	v11 =	vadd.s32 $0xB4C, v1;
	[tilespmem:s20+$0xFC80] =	vst v0  }
0x45: {  	[tilespmem:s0+$0x6C80] =	vst v7;
	v0 =	vld.idx.msk [tilespmem:v4+s10+$0x0], $0xffff  }
0x46: {  	[tilespmem:s9+$0x6C80] =	vst v5;
	v5 =	vld.idx.msk [tilespmem:v8+s10+$0x0], $0xffff;
	v4 =	vadd.s32 $0x21E4, v3  }
0x47: {  	v7 =	vadd.s32 $0xB4C, v2  }
0x48: {  	v6 =	vld.idx.msk [tilespmem:v6+s10+$0x0], $0xffff;
	[tilespmem:s14+$0x8480] =	vst v9  }
0x49: {  	v8 =	vadd.s32 $0xB4C, v10;
	v9 =	vld.idx.msk [tilespmem:v11+s10+$0x0], $0xffff  }
0x4a: {  	v11 =	vadd.s32 $0xF10, v1;
	[tilespmem:s20+$0x11480] =	vst v0  }
0x4b: {  	[tilespmem:s0+$0x8480] =	vst v5;
	v0 =	vld.idx.msk [tilespmem:v4+s10+$0x0], $0xffff  }
0x4c: {  	v5 =	vld.idx.msk [tilespmem:v7+s10+$0x0], $0xffff;
	v4 =	vadd.s32 $0x25A8, v3  }
0x4d: {  	[tilespmem:s9+$0x8480] =	vst v6;
	v6 =	vadd.s32 $0xF10, v2  }
0x4e: {  	s19 =	simm.s32 $0x40;
	v7 =	vld.idx.msk [tilespmem:v8+s10+$0x0], $0xffff;
	[tilespmem:s14+$0x9C80] =	vst v9  }
0x4f: {  	s25 =	sor.u32 $0x30, s19;
	v8 =	vadd.s32 $0xF10, v10;
	v9 =	vld.idx.msk [tilespmem:v11+s10+$0x0], $0xffff  }
0x50: {  	s17 =	sor.u32 $0x10, s19;
	s26 =	sand.u32 $0xFFFF, s25;
	v11 =	vadd.s32 $0x12D4, v1;
	[tilespmem:s20+$0x12C80] =	vst v0  }
0x51: {  	s21 =	sor.u32 $0x20, s19;
	s29 =	sand.u32 $0xFFFF, s17;
	s16 =	smul.u32 $0xF0F1, s26;
	[tilespmem:s0+$0x9C80] =	vst v5;
	v0 =	vld.idx.msk [tilespmem:v4+s10+$0x0], $0xffff  }
0x52: {  	s30 =	sand.u32 $0xFFFF, s21;
	s22 =	smul.u32 $0xF0F1, s29;
	v5 =	vld.idx.msk [tilespmem:v6+s10+$0x0], $0xffff;
	v4 =	vadd.s32 $0x296C, v3  }
0x53: {  	s23 =	smul.u32 $0xF0F1, s30;
	[tilespmem:s9+$0x9C80] =	vst v7;
	v6 =	vadd.s32 $0x12D4, v2  }
0x54: {  	s28 =	sshrl.u32 s16, $0x18;
	s3 =	sshrl.u32 s16, $0x1B;
	s4 =	sshrl.u32 s22, $0x18;
	v7 =	vld.idx.msk [tilespmem:v8+s10+$0x0], $0xffff;
	[tilespmem:s14+$0xB480] =	vst v9  }
0x55: {  	s26 =	sshrl.u32 s22, $0x1B;
	s16 =	sshrl.u32 s16, $0x11;
	s18 =	smul.u32 $0x110, s28;
	v8 =	vadd.s32 $0x12D4, v10;
	v9 =	vld.idx.msk [tilespmem:v11+s10+$0x0], $0xffff  }
0x56: {  	s5 =	sshrl.u32 s23, $0x18;
	s29 =	sshrl.u32 s23, $0x1B;
	s28 =	smul.u32 $0xF0F1, s19;
	v11 =	vadd.s32 $0x1698, v1;
	[tilespmem:s20+$0x14480] =	vst v0  }
0x57: {  	s22 =	sshrl.u32 s22, $0x11;
	s23 =	sshrl.u32 s23, $0x11;
	s24 =	smul.u32 $0x110, s4;
	[tilespmem:s0+$0xB480] =	vst v5;
	v0 =	vld.idx.msk [tilespmem:v4+s10+$0x0], $0xffff  }
0x58: {  	s16 =	sand.u32 $0x380, s16;
	s30 =	smul.u32 $0xC00, s26;
	s15 =	ssub.s32 s25, s18;
	v5 =	vld.idx.msk [tilespmem:v6+s10+$0x0], $0xffff;
	v4 =	vadd.s32 $0x2D30, v3  }
0x59: {  	s22 =	sand.u32 $0x380, s22;
	s18 =	smul.u32 $0xC00, s3;
	s25 =	sshll.u32 s15, $0x3;
	[tilespmem:s9+$0xB480] =	vst v7;
	v6 =	vadd.s32 $0x1698, v2  }
0x5a: {  	s23 =	sand.u32 $0x380, s23;
	s8 =	sshrl.u32 s28, $0x18;
	s25 =	sand.u32 $0xC00, s25;
	v7 =	vld.idx.msk [tilespmem:v8+s10+$0x0], $0xffff;
	[tilespmem:s14+$0xCC80] =	vst v9  }
0x5b: {  	s17 =	ssub.s32 s17, s24;
	s15 =	sand.u32 $0x70, s15;
	s18 =	sadd.s32 s25, s18;
	v8 =	vadd.s32 $0x1698, v10;
	v9 =	vld.idx.msk [tilespmem:v11+s10+$0x0], $0xffff  }
0x5c: {  	s3 =	sshll.u32 s17, $0x3;
	s25 =	smul.u32 $0x110, s5;
	s16 =	sor.u32 s16, s18;
	v11 =	vadd.s32 $0x1A5C, v1;
	[tilespmem:s20+$0x15C80] =	vst v0  }
0x5d: {  	s5 =	sshrl.u32 s28, $0x1B;
	s18 =	smul.u32 $0x110, s8;
	s15 =	sor.u32 s15, s16;
	[tilespmem:s0+$0xCC80] =	vst v5;
	v4 =	vld.idx.msk [tilespmem:v4+s10+$0x0], $0xffff  }
0x5e: {  	s21 =	ssub.s32 s21, s25;
	s16 =	smul.u32 $0xC00, s29;
	s25 =	sand.u32 $0xC00, s3;
	v5 =	vadd.s32 $0x30F4, v3;
	v6 =	vld.idx.msk [tilespmem:v6+s10+$0x0], $0xffff  }
0x5f: {  	s4 =	sshll.u32 s21, $0x3;
	s18 =	ssub.s32 $0x40, s18;
	s24 =	sadd.s32 s25, s30;
	[tilespmem:s9+$0xCC80] =	vst v7;
	v0 =	vld [tilespmem:s15+$0x0]  }
0x60: {  	s25 =	smul.u32 $0xC00, s5;
	s26 =	sand.u32 $0xC00, s4;
	s8 =	sshll.u32 s18, $0x3;
	v7 =	vld.idx.msk [tilespmem:v8+s10+$0x0], $0xffff;
	v8 =	vadd.s32 $0x1A5C, v2;
	[tilespmem:s14+$0xE480] =	vst v9  }
0x61: {  	s22 =	sor.u32 s22, s24;
	s16 =	sadd.s32 s26, s16;
	s26 =	sand.u32 $0xC00, s8;
	v9 =	vld.idx.msk [tilespmem:v11+s10+$0x0], $0xffff;
	v11 =	vadd.s32 $0x1A5C, v10  }
0x62: {  	s25 =	sadd.s32 s26, s25;
	s26 =	sshrl.u32 s28, $0x11;
	s28 =	sand.u32 $0x70, s17;
	[tilespmem:s20+$0x17480] =	vst v4  }
0x63: {  	s23 =	sor.u32 s23, s16;
	s16 =	sor.u32 s28, s22;
	v4 =	vadd.s32 $0x1E20, v1;
	v5 =	vld.idx.msk [tilespmem:v5+s10+$0x0], $0xffff  }
0x64: {  	v12 =	vadd.s32 $0x34B8, v3;
	v25 =	vld [tilespmem:s16+$0x0];
	[tilespmem:s0+$0xE480] =	vst v6  }
0x65: {  	[tilespmem:s9+$0xE480] =	vst v7;
	v6 =	vld.idx.msk [tilespmem:v8+s10+$0x0], $0xffff  }
0x66: {  	v7 =	vld.idx.msk [tilespmem:v11+s10+$0x0], $0xffff  }
0x67: {  	[tilespmem:s14+$0xFC80] =	vst v9;
	v9 =	vld.idx.msk [tilespmem:v0+s10+$0x0], $0xffff;
	v11 =	vadd.s32 $0x1E20, v10  }
0x68: {  	s21 =	sand.u32 $0x70, s21;
	s29 =	sand.u32 $0x380, s26;
	v4 =	vld.idx.msk [tilespmem:v4+s10+$0x0], $0xffff;
	[tilespmem:s20+$0x18C80] =	vst v5;
	v5 =	vadd.s32 $0x1E20, v2  }
0x69: {  	s18 =	sand.u32 $0x70, s18;
	s17 =	sor.u32 s21, s23;
	s30 =	sor.u32 s29, s25;
	v8 =	vld.idx.msk [tilespmem:v12+s10+$0x0], $0xffff;
	v12 =	vadd.s32 $0x3C4, v0  }
0x6a: {  	v26 =	vld [tilespmem:s17+$0x0];
	s18 =	sor.u32 s18, s30;
	v3 =	vadd.s32 $0x387C, v3;
	[tilespmem:s0+$0xFC80] =	vst v6  }
0x6b: {  	v42 =	vld [tilespmem:s18+$0x0];
	v13 =	vadd.s32 $0x21E4, v1;
	[tilespmem:s9+$0xFC80] =	vst v7  }
0x6c: {  	[tilespmem:s15+$0x5480] =	vst v9;
	v6 =	vld.idx.msk [tilespmem:v11+s10+$0x0], $0xffff  }
0x6d: {  	[tilespmem:s14+$0x11480] =	vst v4;
	v5 =	vld.idx.msk [tilespmem:v5+s10+$0x0], $0xffff  }
0x6e: {  	[tilespmem:s20+$0x1A480] =	vst v8;
	v4 =	vld.idx.msk [tilespmem:v12+s10+$0x0], $0xffff  }
0x6f: {  	v3 =	vld.idx.msk [tilespmem:v3+s10+$0x0], $0xffff  }
0x70: {  	v7 =	vadd.s32 $0x21E4, v2;
	v8 =	vld.idx.msk [tilespmem:v13+s10+$0x0], $0xffff  }
0x71: {  	v9 =	vadd.s32 $0x788, v0;
	v12 =	vld.idx.msk [tilespmem:v25+s10+$0x0], $0xffff  }
0x72: {  	v11 =	vadd.s32 $0x21E4, v10;
	v13 =	vld.idx.msk [tilespmem:v26+s10+$0x0], $0xffff;
	[tilespmem:s9+$0x11480] =	vst v6  }
0x73: {  	v14 =	vadd.s32 $0x3C4, v26;
	[tilespmem:s0+$0x11480] =	vst v5;
	v5 =	vld.idx.msk [tilespmem:v42+s10+$0x0], $0xffff  }
0x74: {  	[tilespmem:s20+$0x1BC80] =	vst v3;
	v3 =	vadd.s32 $0x3C4, v25  }
0x75: {  	v15 =	vadd.s32 $0x3C4, v42;
	[tilespmem:s15+$0x6C80] =	vst v4;
	v4 =	vld.idx.msk [tilespmem:v7+s10+$0x0], $0xffff  }
0x76: {  	v7 =	vadd.s32 $0x25A8, v1;
	[tilespmem:s16+$0x5480] =	vst v12;
	v6 =	vld.idx.msk [tilespmem:v9+s10+$0x0], $0xffff  }
0x77: {  	[tilespmem:s17+$0x5480] =	vst v13;
	v9 =	vld.idx.msk [tilespmem:v11+s10+$0x0], $0xffff;
	v11 =	vadd.s32 $0xB4C, v0  }
0x78: {  	v12 =	vadd.s32 $0x25A8, v2;
	[tilespmem:s18+$0x5480] =	vst v5;
	v5 =	vld.idx.msk [tilespmem:v14+s10+$0x0], $0xffff  }
0x79: {  	[tilespmem:s14+$0x12C80] =	vst v8;
	v14 =	vadd.s32 $0x788, v26;
	v3 =	vld.idx.msk [tilespmem:v3+s10+$0x0], $0xffff  }
0x7a: {  	v13 =	vadd.s32 $0x788, v25;
	v8 =	vld.idx.msk [tilespmem:v15+s10+$0x0], $0xffff;
	[tilespmem:s0+$0x12C80] =	vst v4  }
0x7b: {  	v15 =	vadd.s32 $0x788, v42;
	v7 =	vld.idx.msk [tilespmem:v7+s10+$0x0], $0xffff;
	[tilespmem:s15+$0x8480] =	vst v6  }
0x7c: {  	v6 =	vadd.s32 $0x25A8, v10;
	[tilespmem:s9+$0x12C80] =	vst v9;
	v4 =	vld.idx.msk [tilespmem:v11+s10+$0x0], $0xffff  }
0x7d: {  	v11 =	vld.idx.msk [tilespmem:v12+s10+$0x0], $0xffff;
	v12 =	vadd.s32 $0x296C, v1;
	[tilespmem:s17+$0x6C80] =	vst v5  }
0x7e: {  	v14 =	vld.idx.msk [tilespmem:v14+s10+$0x0], $0xffff;
	[tilespmem:s16+$0x6C80] =	vst v3;
	v3 =	vadd.s32 $0xF10, v0  }
0x7f: {  	v18 =	vadd.s32 $0x296C, v2;
	v31 =	vadd.s32 $0x2D30, v2;
	[tilespmem:s18+$0x6C80] =	vst v8;
	v13 =	vld.idx.msk [tilespmem:v13+s10+$0x0], $0xffff  }
0x80: {  	v53 =	vadd.s32 $0x30F4, v2;
	v51 =	vadd.s32 $0x34B8, v2;
	v17 =	vadd.s32 $0xB4C, v25;
	[tilespmem:s14+$0x14480] =	vst v7;
	v15 =	vld.idx.msk [tilespmem:v15+s10+$0x0], $0xffff  }
0x81: {  	v16 =	vadd.s32 $0x296C, v10;
	v43 =	vadd.s32 $0x2D30, v10;
	v19 =	vadd.s32 $0xB4C, v26;
	v21 =	vld.idx.msk [tilespmem:v6+s10+$0x0], $0xffff;
	[tilespmem:s15+$0x9C80] =	vst v4  }
0x82: {  	v54 =	vadd.s32 $0x30F4, v10;
	v52 =	vadd.s32 $0x34B8, v10;
	v20 =	vadd.s32 $0xB4C, v42;
	v12 =	vld.idx.msk [tilespmem:v12+s10+$0x0], $0xffff;
	[tilespmem:s0+$0x14480] =	vst v11  }
0x83: {  	v49 =	vadd.s32 $0x12D4, v25;
	v32 =	vadd.s32 $0x1698, v25;
	v33 =	vadd.s32 $0xF10, v26;
	[tilespmem:s17+$0x8480] =	vst v14;
	v22 =	vld.idx.msk [tilespmem:v3+s10+$0x0], $0xffff  }
0x84: {  	v41 =	vadd.s32 $0x12D4, v26;
	v30 =	vadd.s32 $0x1A5C, v25;
	v34 =	vld.idx.msk [tilespmem:v18+s10+$0x0], $0xffff;
	[tilespmem:s16+$0x8480] =	vst v13;
	v13 =	vadd.s32 $0x12D4, v0  }
0x85: {  	v36 =	vadd.s32 $0x1698, v26;
	v24 =	vadd.s32 $0x1E20, v25;
	v27 =	vadd.s32 $0x2D30, v1;
	[tilespmem:s18+$0x8480] =	vst v15;
	v17 =	vld.idx.msk [tilespmem:v17+s10+$0x0], $0xffff  }
0x86: {  	v29 =	vadd.s32 $0x1A5C, v26;
	v9 =	vadd.s32 $0x387C, v10;
	v10 =	vadd.s32 $0xF10, v25;
	v14 =	vld.idx.msk [tilespmem:v19+s10+$0x0], $0xffff;
	[tilespmem:s9+$0x14480] =	vst v21  }
0x87: {  	v23 =	vadd.s32 $0x1E20, v26;
	v40 =	vadd.s32 $0x30F4, v25;
	v39 =	vadd.s32 $0x12D4, v42;
	v11 =	vld.idx.msk [tilespmem:v20+s10+$0x0], $0xffff;
	[tilespmem:s14+$0x15C80] =	vst v12  }
0x88: {  	v35 =	vadd.s32 $0x1698, v42;
	v28 =	vadd.s32 $0x1A5C, v42;
	v55 =	vadd.s32 $0x34B8, v1;
	v44 =	vld.idx.msk [tilespmem:v16+s10+$0x0], $0xffff;
	[tilespmem:s15+$0xB480] =	vst v22  }
0x89: {  	v38 =	vadd.s32 $0x1698, v0;
	v7 =	vadd.s32 $0x387C, v1;
	v15 =	vadd.s32 $0xF10, v42;
	[tilespmem:s0+$0x15C80] =	vst v34;
	v37 =	vld.idx.msk [tilespmem:v13+s10+$0x0], $0xffff  }
0x8a: {  	v8 =	vadd.s32 $0x387C, v2;
	v6 =	vadd.s32 $0x30F4, v1;
	v18 =	vadd.s32 $0x25A8, v26;
	v46 =	vld.idx.msk [tilespmem:v27+s10+$0x0], $0xffff;
	[tilespmem:s16+$0x9C80] =	vst v17  }
0x8b: {  	v21 =	vadd.s32 $0x21E4, v25;
	v19 =	vadd.s32 $0x21E4, v42;
	v16 =	vadd.s32 $0x25A8, v25;
	[tilespmem:s17+$0x9C80] =	vst v14;
	v45 =	vld.idx.msk [tilespmem:v10+s10+$0x0], $0xffff  }
0x8c: {  	v20 =	vadd.s32 $0x21E4, v26;
	v12 =	vadd.s32 $0x2D30, v26;
	v34 =	vadd.s32 $0x34B8, v25;
	[tilespmem:s18+$0x9C80] =	vst v11;
	v50 =	vld.idx.msk [tilespmem:v33+s10+$0x0], $0xffff  }
0x8d: {  	v27 =	vadd.s32 $0x387C, v25;
	v22 =	vadd.s32 $0x1E20, v42;
	v14 =	vadd.s32 $0x296C, v26;
	[tilespmem:s9+$0x15C80] =	vst v44;
	v44 =	vld.idx.msk [tilespmem:v31+s10+$0x0], $0xffff  }
0x8e: {  	v13 =	vadd.s32 $0x296C, v42;
	v11 =	vadd.s32 $0x2D30, v25;
	v33 =	vadd.s32 $0x34B8, v26;
	v48 =	vld.idx.msk [tilespmem:v15+s10+$0x0], $0xffff;
	[tilespmem:s15+$0xCC80] =	vst v37  }
0x8f: {  	v31 =	vadd.s32 $0x34B8, v42;
	v17 =	vadd.s32 $0x25A8, v42;
	v15 =	vadd.s32 $0x296C, v25;
	v47 =	vld.idx.msk [tilespmem:v38+s10+$0x0], $0xffff  }
0x90: {  	v25 =	vadd.s32 $0x387C, v42;
	v10 =	vadd.s32 $0x2D30, v42;
	v37 =	vadd.s32 $0x30F4, v42;
	[tilespmem:s16+$0xB480] =	vst v45;
	v45 =	vld.idx.msk [tilespmem:v43+s10+$0x0], $0xffff  }
0x91: {  	[tilespmem:s17+$0xB480] =	vst v50;
	v42 =	vadd.s32 $0x1A5C, v0;
	v38 =	vadd.s32 $0x30F4, v26;
	v26 =	vadd.s32 $0x387C, v26;
	v43 =	vld.idx.msk [tilespmem:v49+s10+$0x0], $0xffff  }
.LBB2_2:
0x92: {  	[tilespmem:$0x1FFB0] =	vst v11;
	v1 =	vmov v40  }
0x93: {  	[tilespmem:$0x1FFD0] =	vst v1  }
0x94: {  	[tilespmem:s18+$0xB480] =	vst v48  }
0x95: {  	[tilespmem:s14+$0x17480] =	vst v46  }
0x96: {  	v41 =	vld.idx.msk [tilespmem:v41+s10+$0x0], $0xffff;
	[tilespmem:s15+$0xE480] =	vst v47  }
0x97: {  	s19 =	sadd.s32 $0x40, s19;
	[tilespmem:s0+$0x17480] =	vst v44  }
0x98: {  	s25 =	sor.u32 $0x30, s19;
	v1 =	vmov v38;
	v39 =	vld.idx.msk [tilespmem:v39+s10+$0x0], $0xffff;
	[tilespmem:s9+$0x17480] =	vst v45  }
0x99: {  	s24 =	sor.u32 $0x10, s19;
	s23 =	sand.u32 $0xFFFF, s25;
	v46 =	vld.idx.msk [tilespmem:v6+s10+$0x0], $0xffff;
	[tilespmem:$0x1FF90] =	vst v1  }
0x9a: {  	s20 =	sor.u32 $0x20, s19;
	s21 =	sand.u32 $0xFFFF, s24;
	s26 =	smul.u32 $0xF0F1, s23;
	[tilespmem:s16+$0xCC80] =	vst v43;
	v49 =	vld.idx.msk [tilespmem:v42+s10+$0x0], $0xffff  }
0x9b: {  	s22 =	sand.u32 $0xFFFF, s20;
	s21 =	smul.u32 $0xF0F1, s21;
	v50 =	vld.idx.msk [tilespmem:v53+s10+$0x0], $0xffff;
	[tilespmem:s17+$0xCC80] =	vst v41;
	v1 =	vmov v37  }
0x9c: {  	s22 =	smul.u32 $0xF0F1, s22;
	v53 =	vadd.s32 $0x1E20, v0;
	v54 =	vld.idx.msk [tilespmem:v54+s10+$0x0], $0xffff;
	[tilespmem:$0x1FF70] =	vst v1  }
0x9d: {  	s23 =	sshrl.u32 s26, $0x18;
	s28 =	sshrl.u32 s21, $0x18;
	v32 =	vld.idx.msk [tilespmem:v32+s10+$0x0], $0xffff;
	[tilespmem:s18+$0xCC80] =	vst v39  }
0x9e: {  	s29 =	sshrl.u32 s21, $0x1B;
	s3 =	sshrl.u32 s22, $0x18;
	s30 =	smul.u32 $0x110, s23;
	v36 =	vld.idx.msk [tilespmem:v36+s10+$0x0], $0xffff;
	[tilespmem:s14+$0x18C80] =	vst v46  }
0x9f: {  	s4 =	sshrl.u32 s22, $0x1B;
	s8 =	sshrl.u32 s26, $0x1B;
	s23 =	smul.u32 $0xF0F1, s19;
	v1 =	vmov v34;
	v35 =	vld.idx.msk [tilespmem:v35+s10+$0x0], $0xffff;
	[tilespmem:s15+$0xFC80] =	vst v49  }
0xa0: {  	s26 =	sshrl.u32 s26, $0x11;
	s28 =	smul.u32 $0x110, s28;
	s25 =	ssub.s32 s25, s30;
	v55 =	vld.idx.msk [tilespmem:v55+s10+$0x0], $0xffff;
	[tilespmem:$0x1FFA0] =	vst v1  }
0xa1: {  	s21 =	sshrl.u32 s21, $0x11;
	s30 =	smul.u32 $0xC00, s8;
	s8 =	sshll.u32 s25, $0x3;
	[tilespmem:s0+$0x18C80] =	vst v50;
	v56 =	vld.idx.msk [tilespmem:v53+s10+$0x0], $0xffff  }
0xa2: {  	s22 =	sshrl.u32 s22, $0x11;
	s3 =	smul.u32 $0x110, s3;
	s8 =	sand.u32 $0xC00, s8;
	[tilespmem:s9+$0x18C80] =	vst v54;
	v57 =	vld.idx.msk [tilespmem:v51+s10+$0x0], $0xffff  }
0xa3: {  	s26 =	sand.u32 $0x380, s26;
	s29 =	smul.u32 $0xC00, s29;
	[tilespmem:s16+$0xE480] =	vst v32;
	s8 =	sadd.s32 s8, s30;
	v59 =	vld.idx.msk [tilespmem:v52+s10+$0x0], $0xffff  }
0xa4: {  	v58 =	vadd.s32 $0x21E4, v0;
	s5 =	sshrl.u32 s23, $0x18;
	s25 =	sand.u32 $0x70, s25;
	v30 =	vld.idx.msk [tilespmem:v30+s10+$0x0], $0xffff;
	[tilespmem:s17+$0xE480] =	vst v36;
	v1 =	vmov v33;
	s8 =	sor.u32 s26, s8  }
0xa5: {  	s3 =	ssub.s32 s20, s3;
	s5 =	smul.u32 $0x110, s5;
	v29 =	vld.idx.msk [tilespmem:v29+s10+$0x0], $0xffff;
	[tilespmem:$0x1FF80] =	vst v1;
	s20 =	sor.u32 s25, s8  }
0xa6: {  	s4 =	smul.u32 $0xC00, s4;
	s21 =	sand.u32 $0x380, s21;
	s22 =	sand.u32 $0x380, s22;
	v42 =	vld [tilespmem:s20+$0x0];
	[tilespmem:s18+$0xE480] =	vst v35  }
0xa7: {  	s24 =	ssub.s32 s24, s28;
	s5 =	ssub.s32 s19, s5;
	s26 =	sshll.u32 s3, $0x3;
	[tilespmem:s14+$0x1A480] =	vst v55;
	v28 =	vld.idx.msk [tilespmem:v28+s10+$0x0], $0xffff  }
0xa8: {  	s30 =	sshll.u32 s5, $0x3;
	s3 =	sand.u32 $0x70, s3;
	s25 =	sshll.u32 s24, $0x3;
	[tilespmem:s15+$0x11480] =	vst v56;
	v60 =	vld.idx.msk [tilespmem:v7+s10+$0x0], $0xffff  }
0xa9: {  	v11 =	vmov v31;
	s8 =	sshrl.u32 s23, $0x1B;
	s28 =	sand.u32 $0xC00, s30;
	s25 =	sand.u32 $0xC00, s25;
	[tilespmem:s0+$0x1A480] =	vst v57;
	v31 =	vld.idx.msk [tilespmem:v58+s10+$0x0], $0xffff  }
0xaa: {  	s26 =	sand.u32 $0xC00, s26;
	s8 =	smul.u32 $0xC00, s8;
	s25 =	sadd.s32 s25, s29;
	[tilespmem:s16+$0xFC80] =	vst v30;
	v30 =	vld.idx.msk [tilespmem:v8+s10+$0x0], $0xffff  }
0xab: {  	s4 =	sadd.s32 s26, s4;
	v1 =	vmov v27;
	s29 =	sand.u32 $0x70, s24;
	[tilespmem:s9+$0x1A480] =	vst v59;
	s21 =	sor.u32 s21, s25;
	v24 =	vld.idx.msk [tilespmem:v24+s10+$0x0], $0xffff  }
0xac: {  	v2 =	vmov v26;
	s23 =	sshrl.u32 s23, $0x11;
	v27 =	vadd.s32 $0x25A8, v0;
	s4 =	sor.u32 s22, s4;
	[tilespmem:$0x1FFC0] =	vst v1;
	v26 =	vld.idx.msk [tilespmem:v9+s10+$0x0], $0xffff;
	s21 =	sor.u32 s29, s21  }
0xad: {  	s23 =	sand.u32 $0x380, s23;
	s8 =	sadd.s32 s28, s8;
	s3 =	sor.u32 s3, s4;
	[tilespmem:s17+$0xFC80] =	vst v29;
	v47 =	vld [tilespmem:s21+$0x0]  }
0xae: {  	s5 =	sand.u32 $0x70, s5;
	s8 =	sor.u32 s23, s8;
	v48 =	vld [tilespmem:s3+$0x0];
	[tilespmem:s18+$0xFC80] =	vst v28  }
0xaf: {  	v1 =	vmov v25;
	s30 =	sor.u32 s5, s8;
	[tilespmem:s14+$0x1BC80] =	vst v60;
	v25 =	vld.idx.msk [tilespmem:v42+s10+$0x0], $0xffff  }
0xb0: {  	[tilespmem:s15+$0x12C80] =	vst v31;
	v49 =	vld [tilespmem:s30+$0x0]  }
0xb1: {  	v28 =	vadd.s32 $0x3C4, v42;
	[tilespmem:s0+$0x1BC80] =	vst v30;
	v27 =	vld.idx.msk [tilespmem:v27+s10+$0x0], $0xffff  }
0xb2: {  	s14 =	smov.u32 s16;
	[tilespmem:s9+$0x1BC80] =	vst v26;
	v23 =	vld.idx.msk [tilespmem:v23+s10+$0x0], $0xffff  }
0xb3: {  	[tilespmem:s14+$0x11480] =	vst v24;
	v24 =	vadd.s32 $0x296C, v0;
	v22 =	vld.idx.msk [tilespmem:v22+s10+$0x0], $0xffff  }
0xb4: {  	v61 =	vld.idx.msk [tilespmem:v21+s10+$0x0], $0xffff  }
0xb5: {  	v38 =	vld.idx.msk [tilespmem:v47+s10+$0x0], $0xffff;
	[tilespmem:s20+$0x5480] =	vst v25  }
0xb6: {  	[tilespmem:$0x1FFE0] =	vst v2;
	v25 =	vld.idx.msk [tilespmem:v28+s10+$0x0], $0xffff  }
0xb7: {  	v62 =	vadd.s32 $0x788, v42;
	s0 =	smov.u32 s17;
	v40 =	vld.idx.msk [tilespmem:v48+s10+$0x0], $0xffff;
	[tilespmem:s15+$0x14480] =	vst v27  }
0xb8: {  	v56 =	vadd.s32 $0x2D30, v0;
	s9 =	smov.u32 s18;
	v26 =	vadd.s32 $0x3C4, v47;
	[tilespmem:s0+$0x11480] =	vst v23;
	v37 =	vld.idx.msk [tilespmem:v24+s10+$0x0], $0xffff  }
0xb9: {  	v7 =	vadd.s32 $0x30F4, v0;
	v63 =	vadd.s32 $0xB4C, v42;
	v31 =	vadd.s32 $0x3C4, v48;
	v57 =	vld.idx.msk [tilespmem:v49+s10+$0x0], $0xffff;
	[tilespmem:s9+$0x11480] =	vst v22  }
0xba: {  	v50 =	vadd.s32 $0x788, v47;
	v51 =	vadd.s32 $0xB4C, v47;
	v44 =	vadd.s32 $0xF10, v47;
	[tilespmem:s14+$0x12C80] =	vst v61;
	v60 =	vld.idx.msk [tilespmem:v19+s10+$0x0], $0xffff  }
0xbb: {  	s16 =	smov.u32 s21;
	v43 =	vadd.s32 $0x12D4, v47;
	v32 =	vadd.s32 $0x1698, v47;
	v27 =	vadd.s32 $0x3C4, v49;
	[tilespmem:s20+$0x6C80] =	vst v25;
	v25 =	vld.idx.msk [tilespmem:v20+s10+$0x0], $0xffff  }
0xbc: {  	s17 =	smov.u32 s3;
	v52 =	vadd.s32 $0x788, v48;
	v53 =	vadd.s32 $0xB4C, v48;
	v46 =	vadd.s32 $0xF10, v48;
	[tilespmem:s16+$0x5480] =	vst v38;
	v58 =	vld.idx.msk [tilespmem:v62+s10+$0x0], $0xffff  }
0xbd: {  	v41 =	vadd.s32 $0x12D4, v48;
	v30 =	vadd.s32 $0x1A5C, v47;
	v36 =	vadd.s32 $0x1698, v48;
	v2 =	vld.idx.msk [tilespmem:v26+s10+$0x0], $0xffff;
	[tilespmem:s17+$0x5480] =	vst v40  }
0xbe: {  	s18 =	smov.u32 s30;
	v29 =	vadd.s32 $0x1A5C, v48;
	v21 =	vadd.s32 $0x21E4, v47;
	v59 =	vadd.s32 $0x25A8, v47;
	[tilespmem:s15+$0x15C80] =	vst v37;
	v5 =	vld.idx.msk [tilespmem:v31+s10+$0x0], $0xffff  }
0xbf: {  	v3 =	vadd.s32 $0x296C, v47;
	v4 =	vadd.s32 $0x296C, v48;
	v6 =	vadd.s32 $0x2D30, v48;
	v56 =	vld.idx.msk [tilespmem:v56+s10+$0x0], $0xffff;
	[tilespmem:s18+$0x5480] =	vst v57  }
0xc0: {  	v34 =	vadd.s32 $0x34B8, v47;
	v33 =	vadd.s32 $0x34B8, v48;
	v54 =	vadd.s32 $0x788, v49;
	v8 =	vld.idx.msk [tilespmem:v27+s10+$0x0], $0xffff;
	[tilespmem:s0+$0x12C80] =	vst v25  }
0xc1: {  	v23 =	vadd.s32 $0x1E20, v48;
	v24 =	vadd.s32 $0x1E20, v47;
	v38 =	vadd.s32 $0x30F4, v48;
	[tilespmem:s20+$0x8480] =	vst v58;
	v58 =	vld.idx.msk [tilespmem:v16+s10+$0x0], $0xffff  }
0xc2: {  	v26 =	vadd.s32 $0x387C, v48;
	v20 =	vadd.s32 $0x21E4, v48;
	v62 =	vadd.s32 $0x25A8, v48;
	[tilespmem:s9+$0x12C80] =	vst v60;
	v48 =	vld.idx.msk [tilespmem:v18+s10+$0x0], $0xffff  }
0xc3: {  	v40 =	vadd.s32 $0x30F4, v47;
	v57 =	vadd.s32 $0x2D30, v47;
	v27 =	vadd.s32 $0x387C, v47;
	[tilespmem:s16+$0x6C80] =	vst v2;
	v47 =	vld.idx.msk [tilespmem:v63+s10+$0x0], $0xffff  }
0xc4: {  	[tilespmem:s17+$0x6C80] =	vst v5;
	v63 =	vld.idx.msk [tilespmem:v50+s10+$0x0], $0xffff  }
0xc5: {  	[tilespmem:s15+$0x17480] =	vst v56;
	v5 =	vld.idx.msk [tilespmem:v52+s10+$0x0], $0xffff  }
0xc6: {  	v2 =	vadd.s32 $0xF10, v42;
	v7 =	vld.idx.msk [tilespmem:v7+s10+$0x0], $0xffff;
	[tilespmem:s18+$0x6C80] =	vst v8  }
0xc7: {  	v16 =	vmov v59;
	v59 =	vld.idx.msk [tilespmem:v54+s10+$0x0], $0xffff  }
0xc8: {  	v54 =	vld [tilespmem:$0x1FF70];
	[tilespmem:s14+$0x14480] =	vst v58  }
0xc9: {  	v61 =	vadd.s32 $0x25A8, v49;
	v8 =	vadd.s32 $0x34B8, v0;
	v60 =	vld.idx.msk [tilespmem:v17+s10+$0x0], $0xffff;
	[tilespmem:s0+$0x14480] =	vst v48  }
0xca: {  	v17 =	vmov v61;
	[tilespmem:s20+$0x9C80] =	vst v47;
	v61 =	vld.idx.msk [tilespmem:v15+s10+$0x0], $0xffff  }
0xcb: {  	[tilespmem:s17+$0x8480] =	vst v5;
	v2 =	vld.idx.msk [tilespmem:v2+s10+$0x0], $0xffff  }
0xcc: {  	v55 =	vadd.s32 $0xB4C, v49;
	v5 =	vld.idx.msk [tilespmem:v53+s10+$0x0], $0xffff  }
0xcd: {  	[tilespmem:s15+$0x18C80] =	vst v7;
	v53 =	vld [tilespmem:$0x1FF90]  }
0xce: {  	[tilespmem:s16+$0x8480] =	vst v63;
	v7 =	vld.idx.msk [tilespmem:v8+s10+$0x0], $0xffff  }
0xcf: {  	v8 =	vld.idx.msk [tilespmem:v51+s10+$0x0], $0xffff  }
0xd0: {  	v15 =	vmov v3;
	v3 =	vadd.s32 $0x12D4, v42;
	v51 =	vld [tilespmem:$0x1FF80];
	[tilespmem:s18+$0x8480] =	vst v59  }
0xd1: {  	[tilespmem:$0x1FFF0] =	vst v1;
	v63 =	vld.idx.msk [tilespmem:v55+s10+$0x0], $0xffff  }
0xd2: {  	v18 =	vmov v62;
	v62 =	vadd.s32 $0x387C, v0;
	v55 =	vld [tilespmem:$0x1FFA0];
	[tilespmem:s9+$0x14480] =	vst v60  }
0xd3: {  	[tilespmem:s20+$0xB480] =	vst v2;
	v2 =	vld.idx.msk [tilespmem:v14+s10+$0x0], $0xffff  }
0xd4: {  	[tilespmem:s14+$0x15C80] =	vst v61;
	v14 =	vmov v4;
	v4 =	vld.idx.msk [tilespmem:v13+s10+$0x0], $0xffff  }
0xd5: {  	v45 =	vadd.s32 $0xF10, v49;
	[tilespmem:s17+$0x9C80] =	vst v5;
	v3 =	vld.idx.msk [tilespmem:v3+s10+$0x0], $0xffff  }
0xd6: {  	[tilespmem:s15+$0x1A480] =	vst v7;
	v5 =	vld.idx.msk [tilespmem:v46+s10+$0x0], $0xffff  }
0xd7: {  	[tilespmem:s16+$0x9C80] =	vst v8;
	v7 =	vld.idx.msk [tilespmem:v62+s10+$0x0], $0xffff  }
0xd8: {  	v8 =	vld.idx.msk [tilespmem:v44+s10+$0x0], $0xffff;
	[tilespmem:s18+$0x9C80] =	vst v63  }
0xd9: {  	v1 =	vadd.s32 $0x296C, v49;
	v0 =	vmov v42;
	[tilespmem:s0+$0x15C80] =	vst v2;
	v2 =	vld [tilespmem:$0x1FFB0]  }
0xda: {  	v13 =	vmov v1;
	v1 =	vadd.s32 $0x1698, v0;
	v48 =	vld.idx.msk [tilespmem:v45+s10+$0x0], $0xffff  }
0xdb: {  	v44 =	vld.idx.msk [tilespmem:v12+s10+$0x0], $0xffff  }
0xdc: {  	[tilespmem:s9+$0x15C80] =	vst v4;
	v12 =	vmov v6;
	v6 =	vld [tilespmem:$0x1FFD0]  }
0xdd: {  	v9 =	vadd.s32 $0x2D30, v49;
	v45 =	vld.idx.msk [tilespmem:v10+s10+$0x0], $0xffff  }
0xde: {  	p1 =	slt.u32 s19, $0x940;
	[tilespmem:s20+$0xCC80] =	vst v3;
	v10 =	vmov v9;
	v9 =	vld [tilespmem:$0x1FFF0]  }
.Ltmp0:
0xdf: {  	v47 =	vld.idx.msk [tilespmem:v1+s10+$0x0], $0xffff;
	(pc) =	sbr.rel @p1 .LBB2_2-.Ltmp0, $4  }
0xe0: {  	[tilespmem:s15+$0x1BC80] =	vst v7;
	v7 =	vld [tilespmem:$0x1FFC0]  }
0xe1: {  	v39 =	vadd.s32 $0x12D4, v49;
	v35 =	vadd.s32 $0x1698, v49;
	v28 =	vadd.s32 $0x1A5C, v49;
	v46 =	vld.idx.msk [tilespmem:v2+s10+$0x0], $0xffff  }
0xe2: {  	v22 =	vadd.s32 $0x1E20, v49;
	v19 =	vadd.s32 $0x21E4, v49;
	v37 =	vadd.s32 $0x30F4, v49;
	[tilespmem:s16+$0xB480] =	vst v8;
	v8 =	vld [tilespmem:$0x1FFE0]  }
0xe3: {  	v31 =	vadd.s32 $0x34B8, v49;
	v25 =	vadd.s32 $0x387C, v49;
	v52 =	vmovc v11;
	v11 =	vmovc v57;
	v42 =	vadd.s32 $0x1A5C, v0;
	[tilespmem:s17+$0xB480] =	vst v5;
	s15 =	smov.u32 s20;
	v43 =	vld.idx.msk [tilespmem:v43+s10+$0x0], $0xffff  }
0xe4: {  	_ =	sdelay $0x3  }
0xe5: {  	[tilespmem:s18+$0xB480] =	vst v48;
	v1 =	vld.idx.msk [tilespmem:v41+s10+$0x0], $0xffff  }
0xe6: {  	v2 =	vld.idx.msk [tilespmem:v39+s10+$0x0], $0xffff;
	_ =	sdelay $0x2  }
0xe7: {  	[tilespmem:s16+$0xCC80] =	vst v43  }
0xe8: {  	v3 =	vld.idx.msk [tilespmem:v32+s10+$0x0], $0xffff;
	[tilespmem:s17+$0xCC80] =	vst v1  }
0xe9: {  	[tilespmem:s18+$0xCC80] =	vst v2;
	v1 =	vld.idx.msk [tilespmem:v36+s10+$0x0], $0xffff  }
0xea: {  	v2 =	vld.idx.msk [tilespmem:v35+s10+$0x0], $0xffff;
	_ =	sdelay $0x1  }
0xeb: {  	[tilespmem:s15+$0xE480] =	vst v47  }
0xec: {  	v4 =	vld.idx.msk [tilespmem:v42+s10+$0x0], $0xffff;
	[tilespmem:s16+$0xE480] =	vst v3  }
0xed: {  	v61 =	vadd.s32 $0x1E20, v0;
	v5 =	vld.idx.msk [tilespmem:v30+s10+$0x0], $0xffff;
	[tilespmem:s17+$0xE480] =	vst v1  }
0xee: {  	[tilespmem:s18+$0xE480] =	vst v2;
	v1 =	vld.idx.msk [tilespmem:v29+s10+$0x0], $0xffff  }
0xef: {  	v2 =	vld.idx.msk [tilespmem:v28+s10+$0x0], $0xffff;
	_ =	sdelay $0x1  }
0xf0: {  	[tilespmem:s15+$0xFC80] =	vst v4  }
0xf1: {  	v3 =	vld.idx.msk [tilespmem:v61+s10+$0x0], $0xffff;
	[tilespmem:s16+$0xFC80] =	vst v5  }
0xf2: {  	v62 =	vadd.s32 $0x21E4, v0;
	v5 =	vld.idx.msk [tilespmem:v24+s10+$0x0], $0xffff;
	[tilespmem:s17+$0xFC80] =	vst v1  }
0xf3: {  	[tilespmem:s18+$0xFC80] =	vst v2;
	v1 =	vld.idx.msk [tilespmem:v23+s10+$0x0], $0xffff  }
0xf4: {  	v2 =	vld.idx.msk [tilespmem:v22+s10+$0x0], $0xffff;
	_ =	sdelay $0x1  }
0xf5: {  	[tilespmem:s15+$0x11480] =	vst v3  }
0xf6: {  	v3 =	vld.idx.msk [tilespmem:v62+s10+$0x0], $0xffff;
	[tilespmem:s16+$0x11480] =	vst v5  }
0xf7: {  	v63 =	vadd.s32 $0x25A8, v0;
	v5 =	vld.idx.msk [tilespmem:v21+s10+$0x0], $0xffff;
	[tilespmem:s17+$0x11480] =	vst v1  }
0xf8: {  	[tilespmem:s18+$0x11480] =	vst v2;
	v1 =	vld.idx.msk [tilespmem:v20+s10+$0x0], $0xffff  }
0xf9: {  	v2 =	vld.idx.msk [tilespmem:v19+s10+$0x0], $0xffff;
	_ =	sdelay $0x1  }
0xfa: {  	[tilespmem:s15+$0x12C80] =	vst v3  }
0xfb: {  	v3 =	vld.idx.msk [tilespmem:v63+s10+$0x0], $0xffff;
	[tilespmem:s16+$0x12C80] =	vst v5  }
0xfc: {  	v20 =	vadd.s32 $0x296C, v0;
	[tilespmem:s17+$0x12C80] =	vst v1;
	v21 =	vld.idx.msk [tilespmem:v16+s10+$0x0], $0xffff  }
0xfd: {  	[tilespmem:s18+$0x12C80] =	vst v2;
	v22 =	vld.idx.msk [tilespmem:v18+s10+$0x0], $0xffff  }
0xfe: {  	[tilespmem:s0+$0x17480] =	vst v44;
	v23 =	vld.idx.msk [tilespmem:v17+s10+$0x0], $0xffff  }
0xff: {  	[tilespmem:s14+$0x17480] =	vst v46  }
0x100: {  	v6 =	vld.idx.msk [tilespmem:v6+s10+$0x0], $0xffff;
	[tilespmem:s15+$0x14480] =	vst v3  }
0x101: {  	v3 =	vld.idx.msk [tilespmem:v20+s10+$0x0], $0xffff;
	[tilespmem:s16+$0x14480] =	vst v21  }
0x102: {  	v24 =	vadd.s32 $0x2D30, v0;
	[tilespmem:s17+$0x14480] =	vst v22;
	v28 =	vld.idx.msk [tilespmem:v15+s10+$0x0], $0xffff  }
0x103: {  	[tilespmem:s18+$0x14480] =	vst v23;
	v29 =	vld.idx.msk [tilespmem:v14+s10+$0x0], $0xffff  }
0x104: {  	[tilespmem:s9+$0x17480] =	vst v45;
	v5 =	vld.idx.msk [tilespmem:v13+s10+$0x0], $0xffff  }
0x105: {  	v36 =	vld.idx.msk [tilespmem:v54+s10+$0x0], $0xffff;
	[tilespmem:s14+$0x18C80] =	vst v6  }
0x106: {  	v6 =	vld.idx.msk [tilespmem:v55+s10+$0x0], $0xffff;
	[tilespmem:s15+$0x15C80] =	vst v3  }
0x107: {  	v1 =	vld.idx.msk [tilespmem:v24+s10+$0x0], $0xffff;
	[tilespmem:s16+$0x15C80] =	vst v28  }
0x108: {  	v30 =	vadd.s32 $0x30F4, v0;
	[tilespmem:s17+$0x15C80] =	vst v29;
	v32 =	vld.idx.msk [tilespmem:v11+s10+$0x0], $0xffff  }
0x109: {  	[tilespmem:s18+$0x15C80] =	vst v5;
	v4 =	vld.idx.msk [tilespmem:v12+s10+$0x0], $0xffff  }
0x10a: {  	[tilespmem:s9+$0x18C80] =	vst v36;
	v5 =	vld.idx.msk [tilespmem:v10+s10+$0x0], $0xffff  }
0x10b: {  	v35 =	vld.idx.msk [tilespmem:v53+s10+$0x0], $0xffff;
	[tilespmem:s14+$0x1A480] =	vst v6  }
0x10c: {  	v6 =	vld.idx.msk [tilespmem:v7+s10+$0x0], $0xffff;
	[tilespmem:s15+$0x17480] =	vst v1  }
0x10d: {  	v1 =	vld.idx.msk [tilespmem:v30+s10+$0x0], $0xffff;
	[tilespmem:s16+$0x17480] =	vst v32  }
0x10e: {  	v39 =	vadd.s32 $0x34B8, v0;
	v3 =	vld.idx.msk [tilespmem:v40+s10+$0x0], $0xffff;
	[tilespmem:s17+$0x17480] =	vst v4  }
0x10f: {  	[tilespmem:s18+$0x17480] =	vst v5;
	v4 =	vld.idx.msk [tilespmem:v38+s10+$0x0], $0xffff  }
0x110: {  	[tilespmem:s0+$0x18C80] =	vst v35;
	v5 =	vld.idx.msk [tilespmem:v37+s10+$0x0], $0xffff  }
0x111: {  	v7 =	vld.idx.msk [tilespmem:v52+s10+$0x0], $0xffff;
	[tilespmem:s14+$0x1BC80] =	vst v6  }
0x112: {  	v6 =	vld.idx.msk [tilespmem:v51+s10+$0x0], $0xffff;
	[tilespmem:s15+$0x18C80] =	vst v1  }
0x113: {  	v1 =	vld.idx.msk [tilespmem:v39+s10+$0x0], $0xffff;
	[tilespmem:s16+$0x18C80] =	vst v3  }
0x114: {  	v41 =	vadd.s32 $0x387C, v0;
	v42 =	vld.idx.msk [tilespmem:v34+s10+$0x0], $0xffff;
	[tilespmem:s17+$0x18C80] =	vst v4  }
0x115: {  	[tilespmem:s18+$0x18C80] =	vst v5;
	v43 =	vld.idx.msk [tilespmem:v33+s10+$0x0], $0xffff  }
0x116: {  	[tilespmem:s9+$0x1A480] =	vst v7;
	v44 =	vld.idx.msk [tilespmem:v31+s10+$0x0], $0xffff  }
0x117: {  	v46 =	vld.idx.msk [tilespmem:v9+s10+$0x0], $0xffff;
	[tilespmem:s0+$0x1A480] =	vst v6  }
0x118: {  	v45 =	vld.idx.msk [tilespmem:v8+s10+$0x0], $0xffff;
	[tilespmem:s15+$0x1A480] =	vst v1  }
0x119: {  	v0 =	vld.idx.msk [tilespmem:v41+s10+$0x0], $0xffff;
	[tilespmem:s16+$0x1A480] =	vst v42  }
0x11a: {  	[tilespmem:s17+$0x1A480] =	vst v43;
	v47 =	vld.idx.msk [tilespmem:v27+s10+$0x0], $0xffff  }
0x11b: {  	[tilespmem:s18+$0x1A480] =	vst v44;
	v48 =	vld.idx.msk [tilespmem:v26+s10+$0x0], $0xffff  }
0x11c: {  	[tilespmem:s9+$0x1BC80] =	vst v46;
	v49 =	vld.idx.msk [tilespmem:v25+s10+$0x0], $0xffff  }
0x11d: {  	[tilespmem:s0+$0x1BC80] =	vst v45  }
0x11e: {  	[tilespmem:s15+$0x1BC80] =	vst v0  }
0x11f: {  	[tilespmem:s16+$0x1BC80] =	vst v47  }
0x120: {  	[tilespmem:s17+$0x1BC80] =	vst v48  }
0x121: {  	[tilespmem:s18+$0x1BC80] =	vst v49  }
0x122: {  	v0 =	vld [tilespmem:$0x1400];
	_ =	sdelay $0x7  }
0x123: {  	v1 =	vld.idx.msk [tilespmem:v0+s10+$0x0], $0xffff  }
0x124: {  	v50 =	vadd.s32 $0x3C4, v0;
	_ =	sdelay $0x3  }
0x125: {  	[tilespmem:$0x6880] =	vst v1  }
0x126: {  	v1 =	vld.idx.msk [tilespmem:v50+s10+$0x0], $0xffff  }
0x127: {  	v51 =	vadd.s32 $0x788, v0;
	_ =	sdelay $0x3  }
0x128: {  	[tilespmem:$0x8080] =	vst v1  }
0x129: {  	v1 =	vld.idx.msk [tilespmem:v51+s10+$0x0], $0xffff  }
0x12a: {  	v52 =	vadd.s32 $0xB4C, v0;
	_ =	sdelay $0x3  }
0x12b: {  	[tilespmem:$0x9880] =	vst v1  }
0x12c: {  	v1 =	vld.idx.msk [tilespmem:v52+s10+$0x0], $0xffff  }
0x12d: {  	v53 =	vadd.s32 $0xF10, v0;
	_ =	sdelay $0x3  }
0x12e: {  	[tilespmem:$0xB080] =	vst v1  }
0x12f: {  	v1 =	vld.idx.msk [tilespmem:v53+s10+$0x0], $0xffff  }
0x130: {  	v54 =	vadd.s32 $0x12D4, v0;
	_ =	sdelay $0x3  }
0x131: {  	[tilespmem:$0xC880] =	vst v1  }
0x132: {  	v1 =	vld.idx.msk [tilespmem:v54+s10+$0x0], $0xffff  }
0x133: {  	v55 =	vadd.s32 $0x1698, v0;
	_ =	sdelay $0x3  }
0x134: {  	[tilespmem:$0xE080] =	vst v1  }
0x135: {  	v1 =	vld.idx.msk [tilespmem:v55+s10+$0x0], $0xffff  }
0x136: {  	v56 =	vadd.s32 $0x1A5C, v0;
	_ =	sdelay $0x3  }
0x137: {  	[tilespmem:$0xF880] =	vst v1  }
0x138: {  	v1 =	vld.idx.msk [tilespmem:v56+s10+$0x0], $0xffff  }
0x139: {  	v57 =	vadd.s32 $0x1E20, v0;
	_ =	sdelay $0x3  }
0x13a: {  	[tilespmem:$0x11080] =	vst v1  }
0x13b: {  	v1 =	vld.idx.msk [tilespmem:v57+s10+$0x0], $0xffff  }
0x13c: {  	v58 =	vadd.s32 $0x21E4, v0;
	_ =	sdelay $0x3  }
0x13d: {  	[tilespmem:$0x12880] =	vst v1  }
0x13e: {  	v1 =	vld.idx.msk [tilespmem:v58+s10+$0x0], $0xffff  }
0x13f: {  	v59 =	vadd.s32 $0x25A8, v0;
	_ =	sdelay $0x3  }
0x140: {  	[tilespmem:$0x14080] =	vst v1  }
0x141: {  	v1 =	vld.idx.msk [tilespmem:v59+s10+$0x0], $0xffff  }
0x142: {  	v60 =	vadd.s32 $0x296C, v0;
	_ =	sdelay $0x3  }
0x143: {  	[tilespmem:$0x15880] =	vst v1  }
0x144: {  	v1 =	vld.idx.msk [tilespmem:v60+s10+$0x0], $0xffff  }
0x145: {  	v61 =	vadd.s32 $0x2D30, v0;
	_ =	sdelay $0x3  }
0x146: {  	[tilespmem:$0x17080] =	vst v1  }
0x147: {  	v1 =	vld.idx.msk [tilespmem:v61+s10+$0x0], $0xffff  }
0x148: {  	v62 =	vadd.s32 $0x30F4, v0;
	_ =	sdelay $0x3  }
0x149: {  	[tilespmem:$0x18880] =	vst v1  }
0x14a: {  	v1 =	vld.idx.msk [tilespmem:v62+s10+$0x0], $0xffff  }
0x14b: {  	v63 =	vadd.s32 $0x34B8, v0;
	_ =	sdelay $0x3  }
0x14c: {  	[tilespmem:$0x1A080] =	vst v1  }
0x14d: {  	v1 =	vld.idx.msk [tilespmem:v63+s10+$0x0], $0xffff  }
0x14e: {  	v0 =	vadd.s32 $0x387C, v0;
	_ =	sdelay $0x3  }
0x14f: {  	[tilespmem:$0x1B880] =	vst v1  }
0x150: {  	v0 =	vld.idx.msk [tilespmem:v0+s10+$0x0], $0xffff;
	_ =	sdelay $0x4  }
0x151: {  	s20 =	simm.s32 $0x5480;
	[tilespmem:$0x1D080] =	vst v0  }
0x152: {  	[hbm4b:s6+s2] =	stream.linear.scatter [tilespmem:s20], [sflag:$0x4], $0xC00, $0x38;
	[tilespmem:$0x1D480] =	vst v63  }
0x153: {  	s21 =	sadd.s32 $0x3180, s6;
	s3 =	simm.s32 $0x6C80  }
0x154: {  	[hbm4b:s21+s2] =	stream.linear.scatter [tilespmem:s3], [sflag:$0x4], $0xC00, $0x38;
	[tilespmem:$0x1D480] =	vst v63  }
0x155: {  	s22 =	sadd.s32 $0x6300, s6;
	s23 =	simm.s32 $0x8480  }
0x156: {  	[hbm4b:s22+s2] =	stream.linear.scatter [tilespmem:s23], [sflag:$0x4], $0xC00, $0x38;
	[tilespmem:$0x1D480] =	vst v63  }
0x157: {  	s24 =	sadd.s32 $0x9480, s6;
	s25 =	simm.s32 $0x9C80  }
0x158: {  	[hbm4b:s24+s2] =	stream.linear.scatter [tilespmem:s25], [sflag:$0x4], $0xC00, $0x38;
	[tilespmem:$0x1D480] =	vst v63  }
0x159: {  	s26 =	sadd.s32 $0xC600, s6;
	s28 =	simm.s32 $0xB480  }
0x15a: {  	[hbm4b:s26+s2] =	stream.linear.scatter [tilespmem:s28], [sflag:$0x4], $0xC00, $0x38;
	[tilespmem:$0x1D480] =	vst v63  }
0x15b: {  	s29 =	sadd.s32 $0xF780, s6;
	s30 =	simm.s32 $0xCC80  }
0x15c: {  	[hbm4b:s29+s2] =	stream.linear.scatter [tilespmem:s30], [sflag:$0x4], $0xC00, $0x38;
	[tilespmem:$0x1D480] =	vst v63  }
0x15d: {  	s4 =	simm.s32 $0xE480;
	s3 =	sadd.s32 $0x12900, s6  }
0x15e: {  	[hbm4b:s3+s2] =	stream.linear.scatter [tilespmem:s4], [sflag:$0x4], $0xC00, $0x38;
	[tilespmem:$0x1D480] =	vst v63  }
0x15f: {  	s5 =	sadd.s32 $0x15A80, s6;
	s8 =	simm.s32 $0xFC80  }
0x160: {  	[hbm4b:s5+s2] =	stream.linear.scatter [tilespmem:s8], [sflag:$0x4], $0xC00, $0x38;
	[tilespmem:$0x1D480] =	vst v63  }
0x161: {  	s14 =	simm.s32 $0x11480;
	s9 =	sadd.s32 $0x18C00, s6  }
0x162: {  	[hbm4b:s9+s2] =	stream.linear.scatter [tilespmem:s14], [sflag:$0x4], $0xC00, $0x38;
	[tilespmem:$0x1D480] =	vst v63  }
0x163: {  	s15 =	sadd.s32 $0x1BD80, s6;
	s16 =	simm.s32 $0x12C80  }
0x164: {  	[hbm4b:s15+s2] =	stream.linear.scatter [tilespmem:s16], [sflag:$0x4], $0xC00, $0x38;
	[tilespmem:$0x1D480] =	vst v63  }
0x165: {  	s17 =	sadd.s32 $0x1EF00, s6;
	s18 =	simm.s32 $0x14480  }
0x166: {  	[hbm4b:s17+s2] =	stream.linear.scatter [tilespmem:s18], [sflag:$0x4], $0xC00, $0x38;
	[tilespmem:$0x1D480] =	vst v63  }
0x167: {  	s19 =	sadd.s32 $0x22080, s6;
	s20 =	simm.s32 $0x15C80  }
0x168: {  	[hbm4b:s19+s2] =	stream.linear.scatter [tilespmem:s20], [sflag:$0x4], $0xC00, $0x38;
	[tilespmem:$0x1D480] =	vst v63  }
0x169: {  	s21 =	sadd.s32 $0x25200, s6;
	s22 =	simm.s32 $0x17480  }
0x16a: {  	[hbm4b:s21+s2] =	stream.linear.scatter [tilespmem:s22], [sflag:$0x4], $0xC00, $0x38;
	[tilespmem:$0x1D480] =	vst v63  }
0x16b: {  	s23 =	sadd.s32 $0x28380, s6;
	s24 =	simm.s32 $0x18C80  }
0x16c: {  	[hbm4b:s23+s2] =	stream.linear.scatter [tilespmem:s24], [sflag:$0x4], $0xC00, $0x38;
	[tilespmem:$0x1D480] =	vst v63  }
0x16d: {  	s25 =	sadd.s32 $0x2B500, s6;
	s26 =	simm.s32 $0x1A480  }
0x16e: {  	[hbm4b:s25+s2] =	stream.linear.scatter [tilespmem:s26], [sflag:$0x4], $0xC00, $0x38;
	[tilespmem:$0x1D480] =	vst v63  }
0x16f: {  	s28 =	sadd.s32 $0x2E680, s6;
	s29 =	simm.s32 $0x1BC80  }
0x170: {  	[hbm4b:s28+s2] =	stream.linear.scatter [tilespmem:s29], [sflag:$0x4], $0xC00, $0x38;
	[tilespmem:$0x1D480] =	vst v63  }
0x171: {  	_ =	swait.ge [sflag:s31], $0xC000  }
0x172: {  	[sflag:s31] =	ssyncset.done $0x0  }
0x173: {  	s0 =	simm.s32 @!p0 $0x0;
	s3 =	simm.s32 @!p0 $0x6080;
	[sflag:s31] =	ssyncadd.s32 $0xFFFF4000  }
0x174: {  	[hbm4b:s7+s0] =	stream.linear.scatter @!p0 [tilespmem:s3], [sflag:$0x4], $0xC00, $0x38;
	[tilespmem:$0x1D480] =	vst v63  }
0x175: {  	s4 =	simm.s32 @!p0 $0x7880;
	s3 =	sadd.s32 @!p0 $0x3180, s7  }
0x176: {  	[hbm4b:s3+s0] =	stream.linear.scatter @!p0 [tilespmem:s4], [sflag:$0x4], $0xC00, $0x38;
	[tilespmem:$0x1D480] =	vst v63  }
0x177: {  	s3 =	sadd.s32 @!p0 $0x6300, s7;
	s4 =	simm.s32 @!p0 $0x9080  }
0x178: {  	[hbm4b:s3+s0] =	stream.linear.scatter @!p0 [tilespmem:s4], [sflag:$0x4], $0xC00, $0x38;
	[tilespmem:$0x1D480] =	vst v63  }
0x179: {  	s3 =	sadd.s32 @!p0 $0x9480, s7;
	s4 =	simm.s32 @!p0 $0xA880  }
0x17a: {  	[hbm4b:s3+s0] =	stream.linear.scatter @!p0 [tilespmem:s4], [sflag:$0x4], $0xC00, $0x38;
	[tilespmem:$0x1D480] =	vst v63  }
0x17b: {  	s3 =	sadd.s32 @!p0 $0xC600, s7;
	s4 =	simm.s32 @!p0 $0xC080  }
0x17c: {  	[hbm4b:s3+s0] =	stream.linear.scatter @!p0 [tilespmem:s4], [sflag:$0x4], $0xC00, $0x38;
	[tilespmem:$0x1D480] =	vst v63  }
0x17d: {  	s3 =	sadd.s32 @!p0 $0xF780, s7;
	s4 =	simm.s32 @!p0 $0xD880  }
0x17e: {  	[hbm4b:s3+s0] =	stream.linear.scatter @!p0 [tilespmem:s4], [sflag:$0x4], $0xC00, $0x38;
	[tilespmem:$0x1D480] =	vst v63  }
0x17f: {  	s3 =	sadd.s32 @!p0 $0x12900, s7;
	s4 =	simm.s32 @!p0 $0xF080  }
0x180: {  	[hbm4b:s3+s0] =	stream.linear.scatter @!p0 [tilespmem:s4], [sflag:$0x4], $0xC00, $0x38;
	[tilespmem:$0x1D480] =	vst v63  }
0x181: {  	s3 =	sadd.s32 @!p0 $0x15A80, s7;
	s4 =	simm.s32 @!p0 $0x10880  }
0x182: {  	[hbm4b:s3+s0] =	stream.linear.scatter @!p0 [tilespmem:s4], [sflag:$0x4], $0xC00, $0x38;
	[tilespmem:$0x1D480] =	vst v63  }
0x183: {  	s3 =	sadd.s32 @!p0 $0x18C00, s7;
	s4 =	simm.s32 @!p0 $0x12080  }
0x184: {  	[hbm4b:s3+s0] =	stream.linear.scatter @!p0 [tilespmem:s4], [sflag:$0x4], $0xC00, $0x38;
	[tilespmem:$0x1D480] =	vst v63  }
0x185: {  	s3 =	sadd.s32 @!p0 $0x1BD80, s7;
	s4 =	simm.s32 @!p0 $0x13880  }
0x186: {  	[hbm4b:s3+s0] =	stream.linear.scatter @!p0 [tilespmem:s4], [sflag:$0x4], $0xC00, $0x38;
	[tilespmem:$0x1D480] =	vst v63  }
0x187: {  	s3 =	sadd.s32 @!p0 $0x1EF00, s7;
	s4 =	simm.s32 @!p0 $0x15080  }
0x188: {  	[hbm4b:s3+s0] =	stream.linear.scatter @!p0 [tilespmem:s4], [sflag:$0x4], $0xC00, $0x38;
	[tilespmem:$0x1D480] =	vst v63  }
0x189: {  	s3 =	sadd.s32 @!p0 $0x22080, s7;
	s4 =	simm.s32 @!p0 $0x16880  }
0x18a: {  	[hbm4b:s3+s0] =	stream.linear.scatter @!p0 [tilespmem:s4], [sflag:$0x4], $0xC00, $0x38;
	[tilespmem:$0x1D480] =	vst v63  }
0x18b: {  	s3 =	sadd.s32 @!p0 $0x25200, s7;
	s4 =	simm.s32 @!p0 $0x18080  }
0x18c: {  	[hbm4b:s3+s0] =	stream.linear.scatter @!p0 [tilespmem:s4], [sflag:$0x4], $0xC00, $0x38;
	[tilespmem:$0x1D480] =	vst v63  }
0x18d: {  	s3 =	sadd.s32 @!p0 $0x28380, s7;
	s4 =	simm.s32 @!p0 $0x19880  }
0x18e: {  	[hbm4b:s3+s0] =	stream.linear.scatter @!p0 [tilespmem:s4], [sflag:$0x4], $0xC00, $0x38;
	[tilespmem:$0x1D480] =	vst v63  }
0x18f: {  	s3 =	sadd.s32 @!p0 $0x2B500, s7;
	s4 =	simm.s32 @!p0 $0x1B080  }
0x190: {  	[hbm4b:s3+s0] =	stream.linear.scatter @!p0 [tilespmem:s4], [sflag:$0x4], $0xC00, $0x38;
	[tilespmem:$0x1D480] =	vst v63  }
0x191: {  	s3 =	sadd.s32 @!p0 $0x2E680, s7;
	s4 =	simm.s32 @!p0 $0x1C880  }
0x192: {  	[hbm4b:s3+s0] =	stream.linear.scatter @!p0 [tilespmem:s4], [sflag:$0x4], $0xC00, $0x38;
	[tilespmem:$0x1D480] =	vst v63  }
0x193: {  	s0 =	simm.s32 @!p0 $0x4  }
0x194: {  	_ =	swait.ge @!p0 [sflag:s0], $0xC000  }
0x195: {  	s1 =	sadd.s32 $0x1, s1;
	s30 =	rddreg [dreg:$0x6]  }
0x196: {  	p1 =	sne.s32 s1, s30  }
.Ltmp1:
0x197: {  	_ = 	snop;
	(pc) =	sbr.rel @p1 .LBB2_1-.Ltmp1, $3  }
0x198: {  	_ =	sdelay $0x1  }
0x199: {  	[sflag:s0] =	ssyncset.done @!p0 $0x0  }
0x19a: {  	[sflag:s0] =	ssyncadd.s32 @!p0 $0xFFFF4000  }
0x19b: {  	_ =	sfence.sel $0x180000  }
0x19c: {  	[bflag:$0x0] =	sbarrier.arrive $0xFFFF  }
0x19d: {  	_ =	strace $0x90000047  }
0x19e: {  	s0 =	stileid.u32;
	[bflag:$0x2] =	sbarrier.arrive $0xFFFF  }
0x19f: {  	p0 =	sne.s32 s0, $0x0;
	s0 =	rddreg [dreg:$0x2]  }
0x1a0: {  	s0 =	sadd.s32 @!p0 $0x100000, s0  }
0x1a1: {  	[sflag:s0] =	ssyncadd.tile.s32 @!p0 $0x1;
	_ =	shalt  }
.Lfunc_end2:
_tile_overlayer_lowered:
.L_overlay_start_2:
0x1a2: {  	(tag) =	ssettag $0x2  }
0x1a3: {  	s0 =	rddreg [dreg:$0x0];
	s2 =	stileid.u32  }
0x1a4: {  	s1 =	rddreg [dreg:$0x1];
	p0 =	sne.s32 s2, $0x0  }
0x1a5: {  	s3 =	rddreg [dreg:$0x2];
	[bflag:$0x3] =	sbarrier.arrive $0xFFFF;
	s2 =	simm.s32 @!p0 $0x1C04  }
0x1a6: {  	[timem:s3], [sflag:s2] =	dma.local @!p0 [hbm:s0], s1  }
0x1a7: {  	s0 =	simm.s32 @!p0 $0x4  }
0x1a8: {  	_ =	swait.ge @!p0 [sflag:s0], s1  }
0x1a9: {  	s1 =	ssub.s32 @!p0 $0x0, s1;
	[sflag:s0] =	ssyncset.done @!p0 $0x0  }
0x1aa: {  	[sflag:s0] =	ssyncadd.s32 @!p0 s1  }
0x1ab: {  	[bflag:$0x3] =	sbarrier.arrive $0xFFFF  }
0x1ac: {  	_ =	shalt  }

</sc_bundles>
